<compile_context>
chip_gen: v7x
topology: tpu7x:2x2x1
jax: 0.10.2.dev20260603
libtpu: 0.0.44.dev20260713+nightly
codegen_flags: <defaults>
</compile_context>

<pallas_src>
import functools

import jax
import jax.numpy as jnp
from jax import lax
from jax.experimental import pallas as pl
from jax.experimental.pallas import tpu as pltpu
from jax.experimental.pallas import tpu_sc as plsc

NUM_ROWS = 50000
NUM_COLS = 256
NUM_SEGS = 64
LANES = 16
VREGS_PER_ROW = NUM_COLS // LANES
NUM_CORES = 2
NUM_SUBCORES = 16
NUM_WORKERS = NUM_CORES * NUM_SUBCORES
SEGS_PER_WORKER = NUM_SEGS // NUM_WORKERS
CHUNK_ROWS = 48
NBUF = 5


def _sc_body(x_hbm, starts_hbm, out_hbm, starts_v, buf, out_v, sems):
    w = lax.axis_index("s") * NUM_CORES + lax.axis_index("c")
    pltpu.sync_copy(starts_hbm, starts_v)
    bounds = starts_v[pl.ds(SEGS_PER_WORKER * w, LANES)]

    lo = bounds[0]
    mid = bounds[1]
    hi = bounds[2]
    a = (lo // 8) * 8
    nch = jnp.maximum((hi - a + CHUNK_ROWS - 1) // CHUNK_ROWS, 1)

    def base_of(c):
        return pl.multiple_of(
            jnp.minimum(a + c * CHUNK_ROWS, NUM_ROWS - CHUNK_ROWS), 8
        )

    for k in range(NBUF - 1):

        @pl.when(k < nch)
        def _(k=k):
            pltpu.async_copy(
                x_hbm.at[pl.ds(base_of(k), CHUNK_ROWS)], buf.at[k], sems.at[k]
            )

    def chunk_body(c, carry):
        accs_a, accs_b = carry
        p = c % NBUF
        base = base_of(c)
        pltpu.make_async_copy(
            x_hbm.at[pl.ds(base, CHUNK_ROWS)], buf.at[p], sems.at[p]
        ).wait()

        @pl.when(c + NBUF - 1 < nch)
        def _():
            nxt = (c + NBUF - 1) % NBUF
            pltpu.async_copy(
                x_hbm.at[pl.ds(base_of(c + NBUF - 1), CHUNK_ROWS)],
                buf.at[nxt],
                sems.at[nxt],
            )

        i0 = jnp.maximum(lo - base, 0)
        i1 = jnp.minimum(hi - base, CHUNK_ROWS)
        im = jnp.minimum(jnp.maximum(mid - base, i0), i1)

        def row_a(i, accs):
            return tuple(
                jnp.maximum(accs[d], buf[p, i, pl.ds(LANES * d, LANES)])
                for d in range(VREGS_PER_ROW)
            )

        accs_a = plsc.parallel_loop(i0, im, 1, unroll=2, carry=accs_a)(row_a)
        accs_b = plsc.parallel_loop(im, i1, 1, unroll=2, carry=accs_b)(row_a)
        return (accs_a, accs_b)

    neg_inf = jnp.full((LANES,), -jnp.inf, dtype=jnp.float32)
    init = tuple(neg_inf for _ in range(VREGS_PER_ROW))
    accs_a, accs_b = lax.fori_loop(0, nch, chunk_body, (init, init))
    for d in range(VREGS_PER_ROW):
        out_v[0, pl.ds(LANES * d, LANES)] = accs_a[d]
        out_v[1, pl.ds(LANES * d, LANES)] = accs_b[d]

    pltpu.sync_copy(out_v, out_hbm.at[pl.ds(SEGS_PER_WORKER * w, SEGS_PER_WORKER)])


@jax.jit
def kernel(x, batch):
    batch = batch.astype(jnp.int32)
    queries = jnp.arange(NUM_SEGS + 1, dtype=jnp.int32)
    starts = jnp.searchsorted(
        batch, queries, side="left", method="compare_all"
    ).astype(jnp.int32)
    starts = jnp.full((80,), NUM_ROWS, dtype=jnp.int32).at[: NUM_SEGS + 1].set(starts)

    mesh = plsc.VectorSubcoreMesh(core_axis_name="c", subcore_axis_name="s")
    run = functools.partial(
        pl.kernel,
        mesh=mesh,
        out_type=jax.ShapeDtypeStruct((NUM_SEGS, NUM_COLS), jnp.float32),
        scratch_types=[
            pltpu.VMEM((80,), jnp.int32),
            pltpu.VMEM((NBUF, CHUNK_ROWS, NUM_COLS), jnp.float32),
            pltpu.VMEM((SEGS_PER_WORKER, NUM_COLS), jnp.float32),
            pltpu.SemaphoreType.DMA((NBUF,)),
        ],
    )(_sc_body)
    return run(x, starts)

# --- scband reference (transcript-rebuilt; emitter-appended) ---
"""Pipeline reference for scband-global-max-pool-11441792877172 (READ-ONLY COPY).

The authoritative reference and input builder live on the scoring server;
editing this copy changes nothing except your own understanding.
"""

import jax, jax.numpy as jnp
import numpy as np

NUM_GRAPHS = 64

def setup_inputs(seed: int = 0) -> dict:
    key = jax.random.key(seed)
    k1, k2 = jax.random.split(key)
    x = jax.random.normal(k1, (50000, 256), dtype=jnp.float32)
    batch = jnp.sort(jax.random.randint(k2, (50000,), 0, NUM_GRAPHS, dtype=jnp.int64))
    return {"x": x, "batch": batch}

def reference(x, batch):
    # global_max_pool: segment-wise max over node features grouped by graph id
    return jax.ops.segment_max(x, batch, num_segments=NUM_GRAPHS)

if __name__ == "__main__":
    import jax
    _d = setup_inputs()
    print(jax.jit(kernel)(*tuple(_d.values())))

</pallas_src>

<mosaic_0001>
#map = affine_map<(d0, d1) -> (0, 0)>
#map1 = affine_map<(d0, d1) -> (0)>
module attributes {stable_mosaic.version = 14 : i64} {
  func.func @_sc_body(%arg0: i32, %arg1: i32, %arg2: memref<50000x256xf32, #tpu.memory_space<hbm>>, %arg3: memref<80xi32, #tpu.memory_space<hbm>>, %arg4: memref<64x256xf32, #tpu.memory_space<hbm>>, %arg5: memref<80xi32, #tpu.memory_space<vmem>>, %arg6: memref<5x48x256xf32, #tpu.memory_space<vmem>>, %arg7: memref<2x256xf32, #tpu.memory_space<vmem>>, %arg8: memref<5x!tpu.dma_semaphore, #tpu.memory_space<semaphore_mem>>) attributes {dimension_semantics = [#tpu.dimension_semantics<core_parallel>, #tpu.dimension_semantics<subcore_parallel>], iteration_bounds = array<i64: 2, 16>, scalar_prefetch = 0 : i64, scratch_operands = 4 : i64, tpu.core_type = #tpu.core_type<sc_vector_subcore>, window_params = [{transform_indices = #map}, {transform_indices = #map1}, {transform_indices = #map}]} {
    %mul3A = arith.constant 2 : i32
    %mul3A_0 = arith.muli %arg1, %mul3A : i32
    %add3A = arith.addi %mul3A_0, %arg0 : i32
    "tpu.region"() ({
      %run_scoped3A = tpu.sem_alloc : memref<!tpu.dma_semaphore, #tpu.memory_space<semaphore_mem>>
      tpu.enqueue_dma source(%arg3 : memref<80xi32, #tpu.memory_space<hbm>>) target(%arg5 : memref<80xi32, #tpu.memory_space<vmem>>) target_semaphore(%run_scoped3A : memref<!tpu.dma_semaphore, #tpu.memory_space<semaphore_mem>>)
      tpu.wait_dma2 semaphore(%run_scoped3A : memref<!tpu.dma_semaphore, #tpu.memory_space<semaphore_mem>>) src(%arg3 : memref<80xi32, #tpu.memory_space<hbm>>) dst(%arg5 : memref<80xi32, #tpu.memory_space<vmem>>)
      tpu.yield
    }) : () -> ()
    %mul3A_1 = arith.constant 2 : i32
    %mul3A_2 = arith.muli %mul3A_1, %add3A : i32
    %get3A = arith.index_cast %mul3A_2 : i32 to index
    %get3A_3 = tpu.vector_load %arg5[%get3A] {strides = array<i32>} : memref<80xi32, #tpu.memory_space<vmem>>, vector<16xi32>,
    %get3A_4 = vector.shape_cast %get3A_3 : vector<16xi32> to vector<16xi32>
    %slice3A = vector.extract_strided_slice %get3A_4 {offsets = [0], sizes = [1], strides = [1]} : vector<16xi32> to vector<1xi32>
    %squeeze3A = vector.extract %slice3A[0] : i32 from vector<1xi32>
    %slice3A_5 = vector.extract_strided_slice %get3A_4 {offsets = [1], sizes = [1], strides = [1]} : vector<16xi32> to vector<1xi32>
    %squeeze3A_6 = vector.extract %slice3A_5[0] : i32 from vector<1xi32>
    %slice3A_7 = vector.extract_strided_slice %get3A_4 {offsets = [2], sizes = [1], strides = [1]} : vector<16xi32> to vector<1xi32>
    %squeeze3A_8 = vector.extract %slice3A_7[0] : i32 from vector<1xi32>
    %jit3A = arith.constant 8 : i32
    %div3A = arith.divsi %squeeze3A, %jit3A : i32
    %sign3A = arith.constant 0 : i32
    %sign3A_9 = arith.cmpi sgt, %squeeze3A, %sign3A : i32
    %sign3A_10 = arith.extui %sign3A_9 : i1 to i32
    %sign3A_11 = arith.constant 0 : i32
    %sign3A_12 = arith.cmpi slt, %squeeze3A, %sign3A_11 : i32
    %sign3A_13 = arith.extui %sign3A_12 : i1 to i32
    %sign3A_14 = arith.subi %sign3A_10, %sign3A_13 : i32
    %sign3A_15 = arith.constant 0 : i32
    %sign3A_16 = arith.cmpi sgt, %jit3A, %sign3A_15 : i32
    %sign3A_17 = arith.extui %sign3A_16 : i1 to i32
    %sign3A_18 = arith.constant 0 : i32
    %sign3A_19 = arith.cmpi slt, %jit3A, %sign3A_18 : i32
    %sign3A_20 = arith.extui %sign3A_19 : i1 to i32
    %sign3A_21 = arith.subi %sign3A_17, %sign3A_20 : i32
    %ne3A = arith.cmpi ne, %sign3A_14, %sign3A_21 : i32
    %rem3A = arith.remsi %squeeze3A, %jit3A : i32
    %ne3A_22 = arith.constant 0 : i32
    %ne3A_23 = arith.cmpi ne, %rem3A, %ne3A_22 : i32
    %and3A = arith.andi %ne3A, %ne3A_23 : i1
    %sub3A = arith.constant 1 : i32
    %sub3A_24 = arith.subi %div3A, %sub3A : i32
    %select_n3A = arith.select %and3A, %sub3A_24, %div3A : i32
    %mul3A_25 = arith.constant 8 : i32
    %mul3A_26 = arith.muli %select_n3A, %mul3A_25 : i32
    %sub3A_27 = arith.subi %squeeze3A_8, %mul3A_26 : i32
    %add3A_28 = arith.constant 48 : i32
    %add3A_29 = arith.addi %sub3A_27, %add3A_28 : i32
    %sub3A_30 = arith.constant 1 : i32
    %sub3A_31 = arith.subi %add3A_29, %sub3A_30 : i32
    %jit3A_32 = arith.constant 48 : i32
    %div3A_33 = arith.divsi %sub3A_31, %jit3A_32 : i32
    %sign3A_34 = arith.constant 0 : i32
    %sign3A_35 = arith.cmpi sgt, %sub3A_31, %sign3A_34 : i32
    %sign3A_36 = arith.extui %sign3A_35 : i1 to i32
    %sign3A_37 = arith.constant 0 : i32
    %sign3A_38 = arith.cmpi slt, %sub3A_31, %sign3A_37 : i32
    %sign3A_39 = arith.extui %sign3A_38 : i1 to i32
    %sign3A_40 = arith.subi %sign3A_36, %sign3A_39 : i32
    %sign3A_41 = arith.constant 0 : i32
    %sign3A_42 = arith.cmpi sgt, %jit3A_32, %sign3A_41 : i32
    %sign3A_43 = arith.extui %sign3A_42 : i1 to i32
    %sign3A_44 = arith.constant 0 : i32
    %sign3A_45 = arith.cmpi slt, %jit3A_32, %sign3A_44 : i32
    %sign3A_46 = arith.extui %sign3A_45 : i1 to i32
    %sign3A_47 = arith.subi %sign3A_43, %sign3A_46 : i32
    %ne3A_48 = arith.cmpi ne, %sign3A_40, %sign3A_47 : i32
    %rem3A_49 = arith.remsi %sub3A_31, %jit3A_32 : i32
    %ne3A_50 = arith.constant 0 : i32
    %ne3A_51 = arith.cmpi ne, %rem3A_49, %ne3A_50 : i32
    %and3A_52 = arith.andi %ne3A_48, %ne3A_51 : i1
    %sub3A_53 = arith.constant 1 : i32
    %sub3A_54 = arith.subi %div3A_33, %sub3A_53 : i32
    %select_n3A_55 = arith.select %and3A_52, %sub3A_54, %div3A_33 : i32
    %max3A = arith.constant 1 : i32
    %max3A_56 = arith.maxsi %select_n3A_55, %max3A : i32
    %gt3A = arith.constant 0 : i32
    %gt3A_57 = arith.cmpi sgt, %max3A_56, %gt3A : i32
    %convert_element_type3A = arith.extui %gt3A_57 : i1 to i32
    %cond3A = arith.constant 0 : i32
    %cond3A_58 = arith.cmpi ne, %convert_element_type3A, %cond3A : i32
    scf.if %cond3A_58 {
      %add3A_278 = arith.constant 0 : i32
      %add3A_279 = arith.addi %mul3A_26, %add3A_278 : i32
      %min3A = arith.constant 49952 : i32
      %min3A_280 = arith.minsi %add3A_279, %min3A : i32
      %multiple_of3A = tpu.assume_multiple %min3A_280, 8 : i32
      %dma_start3A = arith.constant 0 : i32
      %dma_start3A_281 = arith.constant 0 : i32
      %dma_start3A_282 = arith.constant 0 : i32
      %dma_start3A_283 = arith.constant 0 : i32
      %dma_start3A_284 = tpu.memref_slice %arg6[%dma_start3A, %dma_start3A_282, %dma_start3A_283] : memref<5x48x256xf32, #tpu.memory_space<vmem>> -> memref<1x48x256xf32, #tpu.memory_space<vmem>>
      %dma_start3A_285 = tpu.memref_squeeze %dma_start3A_284 : memref<1x48x256xf32, #tpu.memory_space<vmem>> -> memref<48x256xf32, #tpu.memory_space<vmem>>
      %dma_start3A_286 = arith.constant 0 : i32
      %dma_start3A_287 = tpu.memref_slice %arg2[%multiple_of3A, %dma_start3A_286] : memref<50000x256xf32, #tpu.memory_space<hbm>> -> memref<48x256xf32, #tpu.memory_space<hbm>>
      %dma_start3A_288 = tpu.memref_slice %arg8[%dma_start3A_281] : memref<5x!tpu.dma_semaphore, #tpu.memory_space<semaphore_mem>> -> memref<1x!tpu.dma_semaphore, #tpu.memory_space<semaphore_mem>>
      %dma_start3A_289 = tpu.memref_squeeze %dma_start3A_288 : memref<1x!tpu.dma_semaphore, #tpu.memory_space<semaphore_mem>> -> memref<!tpu.dma_semaphore, #tpu.memory_space<semaphore_mem>>
      %dma_start3A_290 = arith.constant 0 : i32
      %dma_start3A_291 = arith.constant 0 : i32
      %dma_start3A_292 = tpu.memref_slice %arg6[%dma_start3A, %dma_start3A_290, %dma_start3A_291] : memref<5x48x256xf32, #tpu.memory_space<vmem>> -> memref<1x48x256xf32, #tpu.memory_space<vmem>>
      %dma_start3A_293 = tpu.memref_squeeze %dma_start3A_292 : memref<1x48x256xf32, #tpu.memory_space<vmem>> -> memref<48x256xf32, #tpu.memory_space<vmem>>
      %dma_start3A_294 = arith.constant 0 : i32
      %dma_start3A_295 = tpu.memref_slice %arg2[%multiple_of3A, %dma_start3A_294] : memref<50000x256xf32, #tpu.memory_space<hbm>> -> memref<48x256xf32, #tpu.memory_space<hbm>>
      tpu.enqueue_dma source(%dma_start3A_295 : memref<48x256xf32, #tpu.memory_space<hbm>>) target(%dma_start3A_293 : memref<48x256xf32, #tpu.memory_space<vmem>>) target_semaphore(%dma_start3A_289 : memref<!tpu.dma_semaphore, #tpu.memory_space<semaphore_mem>>)
    } else {
    }
    %gt3A_59 = arith.constant 1 : i32
    %gt3A_60 = arith.cmpi sgt, %max3A_56, %gt3A_59 : i32
    %convert_element_type3A_61 = arith.extui %gt3A_60 : i1 to i32
    %cond3A_62 = arith.constant 0 : i32
    %cond3A_63 = arith.cmpi ne, %convert_element_type3A_61, %cond3A_62 : i32
    scf.if %cond3A_63 {
      %add3A_278 = arith.constant 48 : i32
      %add3A_279 = arith.addi %mul3A_26, %add3A_278 : i32
      %min3A = arith.constant 49952 : i32
      %min3A_280 = arith.minsi %add3A_279, %min3A : i32
      %multiple_of3A = tpu.assume_multiple %min3A_280, 8 : i32
      %dma_start3A = arith.constant 1 : i32
      %dma_start3A_281 = arith.constant 1 : i32
      %dma_start3A_282 = arith.constant 0 : i32
      %dma_start3A_283 = arith.constant 0 : i32
      %dma_start3A_284 = tpu.memref_slice %arg6[%dma_start3A, %dma_start3A_282, %dma_start3A_283] : memref<5x48x256xf32, #tpu.memory_space<vmem>> -> memref<1x48x256xf32, #tpu.memory_space<vmem>>
      %dma_start3A_285 = tpu.memref_squeeze %dma_start3A_284 : memref<1x48x256xf32, #tpu.memory_space<vmem>> -> memref<48x256xf32, #tpu.memory_space<vmem>>
      %dma_start3A_286 = arith.constant 0 : i32
      %dma_start3A_287 = tpu.memref_slice %arg2[%multiple_of3A, %dma_start3A_286] : memref<50000x256xf32, #tpu.memory_space<hbm>> -> memref<48x256xf32, #tpu.memory_space<hbm>>
      %dma_start3A_288 = tpu.memref_slice %arg8[%dma_start3A_281] : memref<5x!tpu.dma_semaphore, #tpu.memory_space<semaphore_mem>> -> memref<1x!tpu.dma_semaphore, #tpu.memory_space<semaphore_mem>>
      %dma_start3A_289 = tpu.memref_squeeze %dma_start3A_288 : memref<1x!tpu.dma_semaphore, #tpu.memory_space<semaphore_mem>> -> memref<!tpu.dma_semaphore, #tpu.memory_space<semaphore_mem>>
      %dma_start3A_290 = arith.constant 0 : i32
      %dma_start3A_291 = arith.constant 0 : i32
      %dma_start3A_292 = tpu.memref_slice %arg6[%dma_start3A, %dma_start3A_290, %dma_start3A_291] : memref<5x48x256xf32, #tpu.memory_space<vmem>> -> memref<1x48x256xf32, #tpu.memory_space<vmem>>
      %dma_start3A_293 = tpu.memref_squeeze %dma_start3A_292 : memref<1x48x256xf32, #tpu.memory_space<vmem>> -> memref<48x256xf32, #tpu.memory_space<vmem>>
      %dma_start3A_294 = arith.constant 0 : i32
      %dma_start3A_295 = tpu.memref_slice %arg2[%multiple_of3A, %dma_start3A_294] : memref<50000x256xf32, #tpu.memory_space<hbm>> -> memref<48x256xf32, #tpu.memory_space<hbm>>
      tpu.enqueue_dma source(%dma_start3A_295 : memref<48x256xf32, #tpu.memory_space<hbm>>) target(%dma_start3A_293 : memref<48x256xf32, #tpu.memory_space<vmem>>) target_semaphore(%dma_start3A_289 : memref<!tpu.dma_semaphore, #tpu.memory_space<semaphore_mem>>)
    } else {
    }
    %gt3A_64 = arith.constant 2 : i32
    %gt3A_65 = arith.cmpi sgt, %max3A_56, %gt3A_64 : i32
    %convert_element_type3A_66 = arith.extui %gt3A_65 : i1 to i32
    %cond3A_67 = arith.constant 0 : i32
    %cond3A_68 = arith.cmpi ne, %convert_element_type3A_66, %cond3A_67 : i32
    scf.if %cond3A_68 {
      %add3A_278 = arith.constant 96 : i32
      %add3A_279 = arith.addi %mul3A_26, %add3A_278 : i32
      %min3A = arith.constant 49952 : i32
      %min3A_280 = arith.minsi %add3A_279, %min3A : i32
      %multiple_of3A = tpu.assume_multiple %min3A_280, 8 : i32
      %dma_start3A = arith.constant 2 : i32
      %dma_start3A_281 = arith.constant 2 : i32
      %dma_start3A_282 = arith.constant 0 : i32
      %dma_start3A_283 = arith.constant 0 : i32
      %dma_start3A_284 = tpu.memref_slice %arg6[%dma_start3A, %dma_start3A_282, %dma_start3A_283] : memref<5x48x256xf32, #tpu.memory_space<vmem>> -> memref<1x48x256xf32, #tpu.memory_space<vmem>>
      %dma_start3A_285 = tpu.memref_squeeze %dma_start3A_284 : memref<1x48x256xf32, #tpu.memory_space<vmem>> -> memref<48x256xf32, #tpu.memory_space<vmem>>
      %dma_start3A_286 = arith.constant 0 : i32
      %dma_start3A_287 = tpu.memref_slice %arg2[%multiple_of3A, %dma_start3A_286] : memref<50000x256xf32, #tpu.memory_space<hbm>> -> memref<48x256xf32, #tpu.memory_space<hbm>>
      %dma_start3A_288 = tpu.memref_slice %arg8[%dma_start3A_281] : memref<5x!tpu.dma_semaphore, #tpu.memory_space<semaphore_mem>> -> memref<1x!tpu.dma_semaphore, #tpu.memory_space<semaphore_mem>>
      %dma_start3A_289 = tpu.memref_squeeze %dma_start3A_288 : memref<1x!tpu.dma_semaphore, #tpu.memory_space<semaphore_mem>> -> memref<!tpu.dma_semaphore, #tpu.memory_space<semaphore_mem>>
      %dma_start3A_290 = arith.constant 0 : i32
      %dma_start3A_291 = arith.constant 0 : i32
      %dma_start3A_292 = tpu.memref_slice %arg6[%dma_start3A, %dma_start3A_290, %dma_start3A_291] : memref<5x48x256xf32, #tpu.memory_space<vmem>> -> memref<1x48x256xf32, #tpu.memory_space<vmem>>
      %dma_start3A_293 = tpu.memref_squeeze %dma_start3A_292 : memref<1x48x256xf32, #tpu.memory_space<vmem>> -> memref<48x256xf32, #tpu.memory_space<vmem>>
      %dma_start3A_294 = arith.constant 0 : i32
      %dma_start3A_295 = tpu.memref_slice %arg2[%multiple_of3A, %dma_start3A_294] : memref<50000x256xf32, #tpu.memory_space<hbm>> -> memref<48x256xf32, #tpu.memory_space<hbm>>
      tpu.enqueue_dma source(%dma_start3A_295 : memref<48x256xf32, #tpu.memory_space<hbm>>) target(%dma_start3A_293 : memref<48x256xf32, #tpu.memory_space<vmem>>) target_semaphore(%dma_start3A_289 : memref<!tpu.dma_semaphore, #tpu.memory_space<semaphore_mem>>)
    } else {
    }
    %gt3A_69 = arith.constant 3 : i32
    %gt3A_70 = arith.cmpi sgt, %max3A_56, %gt3A_69 : i32
    %convert_element_type3A_71 = arith.extui %gt3A_70 : i1 to i32
    %cond3A_72 = arith.constant 0 : i32
    %cond3A_73 = arith.cmpi ne, %convert_element_type3A_71, %cond3A_72 : i32
    scf.if %cond3A_73 {
      %add3A_278 = arith.constant 144 : i32
      %add3A_279 = arith.addi %mul3A_26, %add3A_278 : i32
      %min3A = arith.constant 49952 : i32
      %min3A_280 = arith.minsi %add3A_279, %min3A : i32
      %multiple_of3A = tpu.assume_multiple %min3A_280, 8 : i32
      %dma_start3A = arith.constant 3 : i32
      %dma_start3A_281 = arith.constant 3 : i32
      %dma_start3A_282 = arith.constant 0 : i32
      %dma_start3A_283 = arith.constant 0 : i32
      %dma_start3A_284 = tpu.memref_slice %arg6[%dma_start3A, %dma_start3A_282, %dma_start3A_283] : memref<5x48x256xf32, #tpu.memory_space<vmem>> -> memref<1x48x256xf32, #tpu.memory_space<vmem>>
      %dma_start3A_285 = tpu.memref_squeeze %dma_start3A_284 : memref<1x48x256xf32, #tpu.memory_space<vmem>> -> memref<48x256xf32, #tpu.memory_space<vmem>>
      %dma_start3A_286 = arith.constant 0 : i32
      %dma_start3A_287 = tpu.memref_slice %arg2[%multiple_of3A, %dma_start3A_286] : memref<50000x256xf32, #tpu.memory_space<hbm>> -> memref<48x256xf32, #tpu.memory_space<hbm>>
      %dma_start3A_288 = tpu.memref_slice %arg8[%dma_start3A_281] : memref<5x!tpu.dma_semaphore, #tpu.memory_space<semaphore_mem>> -> memref<1x!tpu.dma_semaphore, #tpu.memory_space<semaphore_mem>>
      %dma_start3A_289 = tpu.memref_squeeze %dma_start3A_288 : memref<1x!tpu.dma_semaphore, #tpu.memory_space<semaphore_mem>> -> memref<!tpu.dma_semaphore, #tpu.memory_space<semaphore_mem>>
      %dma_start3A_290 = arith.constant 0 : i32
      %dma_start3A_291 = arith.constant 0 : i32
      %dma_start3A_292 = tpu.memref_slice %arg6[%dma_start3A, %dma_start3A_290, %dma_start3A_291] : memref<5x48x256xf32, #tpu.memory_space<vmem>> -> memref<1x48x256xf32, #tpu.memory_space<vmem>>
      %dma_start3A_293 = tpu.memref_squeeze %dma_start3A_292 : memref<1x48x256xf32, #tpu.memory_space<vmem>> -> memref<48x256xf32, #tpu.memory_space<vmem>>
      %dma_start3A_294 = arith.constant 0 : i32
      %dma_start3A_295 = tpu.memref_slice %arg2[%multiple_of3A, %dma_start3A_294] : memref<50000x256xf32, #tpu.memory_space<hbm>> -> memref<48x256xf32, #tpu.memory_space<hbm>>
      tpu.enqueue_dma source(%dma_start3A_295 : memref<48x256xf32, #tpu.memory_space<hbm>>) target(%dma_start3A_293 : memref<48x256xf32, #tpu.memory_space<vmem>>) target_semaphore(%dma_start3A_289 : memref<!tpu.dma_semaphore, #tpu.memory_space<semaphore_mem>>)
    } else {
    }
    %broadcast_in_dim3A = arith.constant 0xFF800000 : f32
    %broadcast_in_dim3A_74 = vector.broadcast %broadcast_in_dim3A : f32 to vector<16xf32>
    %while3A = arith.constant 0 : i32
    %while3A_75 = arith.subi %max3A_56, %while3A : i32
    %while3A_76 = arith.addi %while3A, %while3A_75 : i32
    %while3A_77 = arith.constant 1 : i32
    %while3A_78 = arith.divsi %while3A_75, %while3A_77 : i32
    %while3A_79 = arith.muli %while3A_78, %while3A_77 : i32
    %while3A_80 = arith.addi %while3A, %while3A_79 : i32
    %while3A_81 = arith.constant 1 : i32
    %while3A_82:32 = scf.for %while3A_278 = %while3A to %while3A_80 step %while3A_81 iter_args(%while3A_279 = %broadcast_in_dim3A_74, %while3A_280 = %broadcast_in_dim3A_74, %while3A_281 = %broadcast_in_dim3A_74, %while3A_282 = %broadcast_in_dim3A_74, %while3A_283 = %broadcast_in_dim3A_74, %while3A_284 = %broadcast_in_dim3A_74, %while3A_285 = %broadcast_in_dim3A_74, %while3A_286 = %broadcast_in_dim3A_74, %while3A_287 = %broadcast_in_dim3A_74, %while3A_288 = %broadcast_in_dim3A_74, %while3A_289 = %broadcast_in_dim3A_74, %while3A_290 = %broadcast_in_dim3A_74, %while3A_291 = %broadcast_in_dim3A_74, %while3A_292 = %broadcast_in_dim3A_74, %while3A_293 = %broadcast_in_dim3A_74, %while3A_294 = %broadcast_in_dim3A_74, %while3A_295 = %broadcast_in_dim3A_74, %while3A_296 = %broadcast_in_dim3A_74, %while3A_297 = %broadcast_in_dim3A_74, %while3A_298 = %broadcast_in_dim3A_74, %while3A_299 = %broadcast_in_dim3A_74, %while3A_300 = %broadcast_in_dim3A_74, %while3A_301 = %broadcast_in_dim3A_74, %while3A_302 = %broadcast_in_dim3A_74, %while3A_303 = %broadcast_in_dim3A_74, %while3A_304 = %broadcast_in_dim3A_74, %while3A_305 = %broadcast_in_dim3A_74, %while3A_306 = %broadcast_in_dim3A_74, %while3A_307 = %broadcast_in_dim3A_74, %while3A_308 = %broadcast_in_dim3A_74, %while3A_309 = %broadcast_in_dim3A_74, %while3A_310 = %broadcast_in_dim3A_74) -> (vector<16xf32>, vector<16xf32>, vector<16xf32>, vector<16xf32>, vector<16xf32>, vector<16xf32>, vector<16xf32>, vector<16xf32>, vector<16xf32>, vector<16xf32>, vector<16xf32>, vector<16xf32>, vector<16xf32>, vector<16xf32>, vector<16xf32>, vector<16xf32>, vector<16xf32>, vector<16xf32>, vector<16xf32>, vector<16xf32>, vector<16xf32>, vector<16xf32>, vector<16xf32>, vector<16xf32>, vector<16xf32>, vector<16xf32>, vector<16xf32>, vector<16xf32>, vector<16xf32>, vector<16xf32>, vector<16xf32>, vector<16xf32>)  : i32 {
      %jit3A_311 = arith.constant 5 : i32
      %eq3A = arith.constant 0 : i32
      %eq3A_312 = arith.cmpi eq, %jit3A_311, %eq3A : i32
      %jit3A_313 = arith.constant 1 : i32
      %select_n3A_314 = arith.select %eq3A_312, %jit3A_313, %jit3A_311 : i32
      %rem3A_315 = arith.remsi %while3A_278, %select_n3A_314 : i32
      %ne3A_316 = arith.constant 0 : i32
      %ne3A_317 = arith.cmpi ne, %rem3A_315, %ne3A_316 : i32
      %lt3A = arith.constant 0 : i32
      %lt3A_318 = arith.cmpi slt, %rem3A_315, %lt3A : i32
      %lt3A_319 = arith.constant 0 : i32
      %lt3A_320 = arith.cmpi slt, %select_n3A_314, %lt3A_319 : i32
      %ne3A_321 = arith.xori %lt3A_318, %lt3A_320 : i1
      %and3A_322 = arith.andi %ne3A_321, %ne3A_317 : i1
      %add3A_323 = arith.addi %rem3A_315, %select_n3A_314 : i32
      %select_n3A_324 = arith.select %and3A_322, %add3A_323, %rem3A_315 : i32
      %mul3A_325 = arith.constant 48 : i32
      %mul3A_326 = arith.muli %while3A_278, %mul3A_325 : i32
      %add3A_327 = arith.addi %mul3A_26, %mul3A_326 : i32
      %min3A = arith.constant 49952 : i32
      %min3A_328 = arith.minsi %add3A_327, %min3A : i32
      %multiple_of3A = tpu.assume_multiple %min3A_328, 8 : i32
      %dma_wait3A = arith.constant 0 : i32
      %dma_wait3A_329 = arith.constant 0 : i32
      %dma_wait3A_330 = tpu.memref_slice %arg6[%select_n3A_324, %dma_wait3A, %dma_wait3A_329] : memref<5x48x256xf32, #tpu.memory_space<vmem>> -> memref<1x48x256xf32, #tpu.memory_space<vmem>>
      %dma_wait3A_331 = tpu.memref_squeeze %dma_wait3A_330 : memref<1x48x256xf32, #tpu.memory_space<vmem>> -> memref<48x256xf32, #tpu.memory_space<vmem>>
      %dma_wait3A_332 = arith.constant 0 : i32
      %dma_wait3A_333 = tpu.memref_slice %arg2[%multiple_of3A, %dma_wait3A_332] : memref<50000x256xf32, #tpu.memory_space<hbm>> -> memref<48x256xf32, #tpu.memory_space<hbm>>
      %dma_wait3A_334 = tpu.memref_slice %arg8[%select_n3A_324] : memref<5x!tpu.dma_semaphore, #tpu.memory_space<semaphore_mem>> -> memref<1x!tpu.dma_semaphore, #tpu.memory_space<semaphore_mem>>
      %dma_wait3A_335 = tpu.memref_squeeze %dma_wait3A_334 : memref<1x!tpu.dma_semaphore, #tpu.memory_space<semaphore_mem>> -> memref<!tpu.dma_semaphore, #tpu.memory_space<semaphore_mem>>
      %dma_wait3A_336 = arith.constant 0 : i32
      %dma_wait3A_337 = arith.constant 0 : i32
      %dma_wait3A_338 = tpu.memref_slice %arg6[%select_n3A_324, %dma_wait3A_336, %dma_wait3A_337] : memref<5x48x256xf32, #tpu.memory_space<vmem>> -> memref<1x48x256xf32, #tpu.memory_space<vmem>>
      %dma_wait3A_339 = tpu.memref_squeeze %dma_wait3A_338 : memref<1x48x256xf32, #tpu.memory_space<vmem>> -> memref<48x256xf32, #tpu.memory_space<vmem>>
      %dma_wait3A_340 = arith.constant 0 : i32
      %dma_wait3A_341 = tpu.memref_slice %arg2[%multiple_of3A, %dma_wait3A_340] : memref<50000x256xf32, #tpu.memory_space<hbm>> -> memref<48x256xf32, #tpu.memory_space<hbm>>
      tpu.wait_dma2 semaphore(%dma_wait3A_335 : memref<!tpu.dma_semaphore, #tpu.memory_space<semaphore_mem>>) src(%dma_wait3A_341 : memref<48x256xf32, #tpu.memory_space<hbm>>) dst(%dma_wait3A_339 : memref<48x256xf32, #tpu.memory_space<vmem>>)
      %add3A_342 = arith.constant 5 : i32
      %add3A_343 = arith.addi %while3A_278, %add3A_342 : i32
      %sub3A_344 = arith.constant 1 : i32
      %sub3A_345 = arith.subi %add3A_343, %sub3A_344 : i32
      %lt3A_346 = arith.cmpi slt, %sub3A_345, %max3A_56 : i32
      %convert_element_type3A_347 = arith.extui %lt3A_346 : i1 to i32
      %cond3A_348 = arith.constant 0 : i32
      %cond3A_349 = arith.cmpi ne, %convert_element_type3A_347, %cond3A_348 : i32
      scf.if %cond3A_349 {
        %add3A_362 = arith.constant 5 : i32
        %add3A_363 = arith.addi %while3A_278, %add3A_362 : i32
        %sub3A_364 = arith.constant 1 : i32
        %sub3A_365 = arith.subi %add3A_363, %sub3A_364 : i32
        %jit3A_366 = arith.constant 5 : i32
        %eq3A_367 = arith.constant 0 : i32
        %eq3A_368 = arith.cmpi eq, %jit3A_366, %eq3A_367 : i32
        %jit3A_369 = arith.constant 1 : i32
        %select_n3A_370 = arith.select %eq3A_368, %jit3A_369, %jit3A_366 : i32
        %rem3A_371 = arith.remsi %sub3A_365, %select_n3A_370 : i32
        %ne3A_372 = arith.constant 0 : i32
        %ne3A_373 = arith.cmpi ne, %rem3A_371, %ne3A_372 : i32
        %lt3A_374 = arith.constant 0 : i32
        %lt3A_375 = arith.cmpi slt, %rem3A_371, %lt3A_374 : i32
        %lt3A_376 = arith.constant 0 : i32
        %lt3A_377 = arith.cmpi slt, %select_n3A_370, %lt3A_376 : i32
        %ne3A_378 = arith.xori %lt3A_375, %lt3A_377 : i1
        %and3A_379 = arith.andi %ne3A_378, %ne3A_373 : i1
        %add3A_380 = arith.addi %rem3A_371, %select_n3A_370 : i32
        %select_n3A_381 = arith.select %and3A_379, %add3A_380, %rem3A_371 : i32
        %add3A_382 = arith.constant 5 : i32
        %add3A_383 = arith.addi %while3A_278, %add3A_382 : i32
        %sub3A_384 = arith.constant 1 : i32
        %sub3A_385 = arith.subi %add3A_383, %sub3A_384 : i32
        %mul3A_386 = arith.constant 48 : i32
        %mul3A_387 = arith.muli %sub3A_385, %mul3A_386 : i32
        %add3A_388 = arith.addi %mul3A_26, %mul3A_387 : i32
        %min3A_389 = arith.constant 49952 : i32
        %min3A_390 = arith.minsi %add3A_388, %min3A_389 : i32
        %multiple_of3A_391 = tpu.assume_multiple %min3A_390, 8 : i32
        %dma_start3A = arith.constant 0 : i32
        %dma_start3A_392 = arith.constant 0 : i32
        %dma_start3A_393 = tpu.memref_slice %arg6[%select_n3A_381, %dma_start3A, %dma_start3A_392] : memref<5x48x256xf32, #tpu.memory_space<vmem>> -> memref<1x48x256xf32, #tpu.memory_space<vmem>>
        %dma_start3A_394 = tpu.memref_squeeze %dma_start3A_393 : memref<1x48x256xf32, #tpu.memory_space<vmem>> -> memref<48x256xf32, #tpu.memory_space<vmem>>
        %dma_start3A_395 = arith.constant 0 : i32
        %dma_start3A_396 = tpu.memref_slice %arg2[%multiple_of3A_391, %dma_start3A_395] : memref<50000x256xf32, #tpu.memory_space<hbm>> -> memref<48x256xf32, #tpu.memory_space<hbm>>
        %dma_start3A_397 = tpu.memref_slice %arg8[%select_n3A_381] : memref<5x!tpu.dma_semaphore, #tpu.memory_space<semaphore_mem>> -> memref<1x!tpu.dma_semaphore, #tpu.memory_space<semaphore_mem>>
        %dma_start3A_398 = tpu.memref_squeeze %dma_start3A_397 : memref<1x!tpu.dma_semaphore, #tpu.memory_space<semaphore_mem>> -> memref<!tpu.dma_semaphore, #tpu.memory_space<semaphore_mem>>
        %dma_start3A_399 = arith.constant 0 : i32
        %dma_start3A_400 = arith.constant 0 : i32
        %dma_start3A_401 = tpu.memref_slice %arg6[%select_n3A_381, %dma_start3A_399, %dma_start3A_400] : memref<5x48x256xf32, #tpu.memory_space<vmem>> -> memref<1x48x256xf32, #tpu.memory_space<vmem>>
        %dma_start3A_402 = tpu.memref_squeeze %dma_start3A_401 : memref<1x48x256xf32, #tpu.memory_space<vmem>> -> memref<48x256xf32, #tpu.memory_space<vmem>>
        %dma_start3A_403 = arith.constant 0 : i32
        %dma_start3A_404 = tpu.memref_slice %arg2[%multiple_of3A_391, %dma_start3A_403] : memref<50000x256xf32, #tpu.memory_space<hbm>> -> memref<48x256xf32, #tpu.memory_space<hbm>>
        tpu.enqueue_dma source(%dma_start3A_404 : memref<48x256xf32, #tpu.memory_space<hbm>>) target(%dma_start3A_402 : memref<48x256xf32, #tpu.memory_space<vmem>>) target_semaphore(%dma_start3A_398 : memref<!tpu.dma_semaphore, #tpu.memory_space<semaphore_mem>>)
      } else {
      }
      %sub3A_350 = arith.subi %squeeze3A, %multiple_of3A : i32
      %max3A_351 = arith.constant 0 : i32
      %max3A_352 = arith.maxsi %sub3A_350, %max3A_351 : i32
      %sub3A_353 = arith.subi %squeeze3A_8, %multiple_of3A : i32
      %min3A_354 = arith.constant 48 : i32
      %min3A_355 = arith.minsi %sub3A_353, %min3A_354 : i32
      %sub3A_356 = arith.subi %squeeze3A_6, %multiple_of3A : i32
      %max3A_357 = arith.maxsi %sub3A_356, %max3A_352 : i32
      %min3A_358 = arith.minsi %max3A_357, %min3A_355 : i32
      %parallel_loop3A = arith.constant 1 : i32
      %parallel_loop3A_359:16 = scf.for %parallel_loop3A_362 = %max3A_352 to %min3A_358 step %parallel_loop3A iter_args(%parallel_loop3A_363 = %while3A_279, %parallel_loop3A_364 = %while3A_280, %parallel_loop3A_365 = %while3A_281, %parallel_loop3A_366 = %while3A_282, %parallel_loop3A_367 = %while3A_283, %parallel_loop3A_368 = %while3A_284, %parallel_loop3A_369 = %while3A_285, %parallel_loop3A_370 = %while3A_286, %parallel_loop3A_371 = %while3A_287, %parallel_loop3A_372 = %while3A_288, %parallel_loop3A_373 = %while3A_289, %parallel_loop3A_374 = %while3A_290, %parallel_loop3A_375 = %while3A_291, %parallel_loop3A_376 = %while3A_292, %parallel_loop3A_377 = %while3A_293, %parallel_loop3A_378 = %while3A_294) -> (vector<16xf32>, vector<16xf32>, vector<16xf32>, vector<16xf32>, vector<16xf32>, vector<16xf32>, vector<16xf32>, vector<16xf32>, vector<16xf32>, vector<16xf32>, vector<16xf32>, vector<16xf32>, vector<16xf32>, vector<16xf32>, vector<16xf32>, vector<16xf32>)  : i32 {
        %parallel_loop3A_379 = arith.index_cast %select_n3A_324 : i32 to index
        %parallel_loop3A_380 = arith.index_cast %parallel_loop3A_362 : i32 to index
        %parallel_loop3A_381 = arith.constant 0 : index
        %parallel_loop3A_382 = tpu.vector_load %arg6[%parallel_loop3A_379, %parallel_loop3A_380, %parallel_loop3A_381] {strides = array<i32>} : memref<5x48x256xf32, #tpu.memory_space<vmem>>, vector<1x1x16xf32>,
        %parallel_loop3A_383 = vector.shape_cast %parallel_loop3A_382 : vector<1x1x16xf32> to vector<16xf32>
        %parallel_loop3A_384 = arith.maximumf %parallel_loop3A_363, %parallel_loop3A_383 : vector<16xf32>
        %parallel_loop3A_385 = arith.index_cast %select_n3A_324 : i32 to index
        %parallel_loop3A_386 = arith.index_cast %parallel_loop3A_362 : i32 to index
        %parallel_loop3A_387 = arith.constant 16 : index
        %parallel_loop3A_388 = tpu.vector_load %arg6[%parallel_loop3A_385, %parallel_loop3A_386, %parallel_loop3A_387] {strides = array<i32>} : memref<5x48x256xf32, #tpu.memory_space<vmem>>, vector<1x1x16xf32>,
        %parallel_loop3A_389 = vector.shape_cast %parallel_loop3A_388 : vector<1x1x16xf32> to vector<16xf32>
        %parallel_loop3A_390 = arith.maximumf %parallel_loop3A_364, %parallel_loop3A_389 : vector<16xf32>
        %parallel_loop3A_391 = arith.index_cast %select_n3A_324 : i32 to index
        %parallel_loop3A_392 = arith.index_cast %parallel_loop3A_362 : i32 to index
        %parallel_loop3A_393 = arith.constant 32 : index
        %parallel_loop3A_394 = tpu.vector_load %arg6[%parallel_loop3A_391, %parallel_loop3A_392, %parallel_loop3A_393] {strides = array<i32>} : memref<5x48x256xf32, #tpu.memory_space<vmem>>, vector<1x1x16xf32>,
        %parallel_loop3A_395 = vector.shape_cast %parallel_loop3A_394 : vector<1x1x16xf32> to vector<16xf32>
        %parallel_loop3A_396 = arith.maximumf %parallel_loop3A_365, %parallel_loop3A_395 : vector<16xf32>
        %parallel_loop3A_397 = arith.index_cast %select_n3A_324 : i32 to index
        %parallel_loop3A_398 = arith.index_cast %parallel_loop3A_362 : i32 to index
        %parallel_loop3A_399 = arith.constant 48 : index
        %parallel_loop3A_400 = tpu.vector_load %arg6[%parallel_loop3A_397, %parallel_loop3A_398, %parallel_loop3A_399] {strides = array<i32>} : memref<5x48x256xf32, #tpu.memory_space<vmem>>, vector<1x1x16xf32>,
        %parallel_loop3A_401 = vector.shape_cast %parallel_loop3A_400 : vector<1x1x16xf32> to vector<16xf32>
        %parallel_loop3A_402 = arith.maximumf %parallel_loop3A_366, %parallel_loop3A_401 : vector<16xf32>
        %parallel_loop3A_403 = arith.index_cast %select_n3A_324 : i32 to index
        %parallel_loop3A_404 = arith.index_cast %parallel_loop3A_362 : i32 to index
        %parallel_loop3A_405 = arith.constant 64 : index
        %parallel_loop3A_406 = tpu.vector_load %arg6[%parallel_loop3A_403, %parallel_loop3A_404, %parallel_loop3A_405] {strides = array<i32>} : memref<5x48x256xf32, #tpu.memory_space<vmem>>, vector<1x1x16xf32>,
        %parallel_loop3A_407 = vector.shape_cast %parallel_loop3A_406 : vector<1x1x16xf32> to vector<16xf32>
        %parallel_loop3A_408 = arith.maximumf %parallel_loop3A_367, %parallel_loop3A_407 : vector<16xf32>
        %parallel_loop3A_409 = arith.index_cast %select_n3A_324 : i32 to index
        %parallel_loop3A_410 = arith.index_cast %parallel_loop3A_362 : i32 to index
        %parallel_loop3A_411 = arith.constant 80 : index
        %parallel_loop3A_412 = tpu.vector_load %arg6[%parallel_loop3A_409, %parallel_loop3A_410, %parallel_loop3A_411] {strides = array<i32>} : memref<5x48x256xf32, #tpu.memory_space<vmem>>, vector<1x1x16xf32>,
        %parallel_loop3A_413 = vector.shape_cast %parallel_loop3A_412 : vector<1x1x16xf32> to vector<16xf32>
        %parallel_loop3A_414 = arith.maximumf %parallel_loop3A_368, %parallel_loop3A_413 : vector<16xf32>
        %parallel_loop3A_415 = arith.index_cast %select_n3A_324 : i32 to index
        %parallel_loop3A_416 = arith.index_cast %parallel_loop3A_362 : i32 to index
        %parallel_loop3A_417 = arith.constant 96 : index
        %parallel_loop3A_418 = tpu.vector_load %arg6[%parallel_loop3A_415, %parallel_loop3A_416, %parallel_loop3A_417] {strides = array<i32>} : memref<5x48x256xf32, #tpu.memory_space<vmem>>, vector<1x1x16xf32>,
        %parallel_loop3A_419 = vector.shape_cast %parallel_loop3A_418 : vector<1x1x16xf32> to vector<16xf32>
        %parallel_loop3A_420 = arith.maximumf %parallel_loop3A_369, %parallel_loop3A_419 : vector<16xf32>
        %parallel_loop3A_421 = arith.index_cast %select_n3A_324 : i32 to index
        %parallel_loop3A_422 = arith.index_cast %parallel_loop3A_362 : i32 to index
        %parallel_loop3A_423 = arith.constant 112 : index
        %parallel_loop3A_424 = tpu.vector_load %arg6[%parallel_loop3A_421, %parallel_loop3A_422, %parallel_loop3A_423] {strides = array<i32>} : memref<5x48x256xf32, #tpu.memory_space<vmem>>, vector<1x1x16xf32>,
        %parallel_loop3A_425 = vector.shape_cast %parallel_loop3A_424 : vector<1x1x16xf32> to vector<16xf32>
        %parallel_loop3A_426 = arith.maximumf %parallel_loop3A_370, %parallel_loop3A_425 : vector<16xf32>
        %parallel_loop3A_427 = arith.index_cast %select_n3A_324 : i32 to index
        %parallel_loop3A_428 = arith.index_cast %parallel_loop3A_362 : i32 to index
        %parallel_loop3A_429 = arith.constant 128 : index
        %parallel_loop3A_430 = tpu.vector_load %arg6[%parallel_loop3A_427, %parallel_loop3A_428, %parallel_loop3A_429] {strides = array<i32>} : memref<5x48x256xf32, #tpu.memory_space<vmem>>, vector<1x1x16xf32>,
        %parallel_loop3A_431 = vector.shape_cast %parallel_loop3A_430 : vector<1x1x16xf32> to vector<16xf32>
        %parallel_loop3A_432 = arith.maximumf %parallel_loop3A_371, %parallel_loop3A_431 : vector<16xf32>
        %parallel_loop3A_433 = arith.index_cast %select_n3A_324 : i32 to index
        %parallel_loop3A_434 = arith.index_cast %parallel_loop3A_362 : i32 to index
        %parallel_loop3A_435 = arith.constant 144 : index
        %parallel_loop3A_436 = tpu.vector_load %arg6[%parallel_loop3A_433, %parallel_loop3A_434, %parallel_loop3A_435] {strides = array<i32>} : memref<5x48x256xf32, #tpu.memory_space<vmem>>, vector<1x1x16xf32>,
        %parallel_loop3A_437 = vector.shape_cast %parallel_loop3A_436 : vector<1x1x16xf32> to vector<16xf32>
        %parallel_loop3A_438 = arith.maximumf %parallel_loop3A_372, %parallel_loop3A_437 : vector<16xf32>
        %parallel_loop3A_439 = arith.index_cast %select_n3A_324 : i32 to index
        %parallel_loop3A_440 = arith.index_cast %parallel_loop3A_362 : i32 to index
        %parallel_loop3A_441 = arith.constant 160 : index
        %parallel_loop3A_442 = tpu.vector_load %arg6[%parallel_loop3A_439, %parallel_loop3A_440, %parallel_loop3A_441] {strides = array<i32>} : memref<5x48x256xf32, #tpu.memory_space<vmem>>, vector<1x1x16xf32>,
        %parallel_loop3A_443 = vector.shape_cast %parallel_loop3A_442 : vector<1x1x16xf32> to vector<16xf32>
        %parallel_loop3A_444 = arith.maximumf %parallel_loop3A_373, %parallel_loop3A_443 : vector<16xf32>
        %parallel_loop3A_445 = arith.index_cast %select_n3A_324 : i32 to index
        %parallel_loop3A_446 = arith.index_cast %parallel_loop3A_362 : i32 to index
        %parallel_loop3A_447 = arith.constant 176 : index
        %parallel_loop3A_448 = tpu.vector_load %arg6[%parallel_loop3A_445, %parallel_loop3A_446, %parallel_loop3A_447] {strides = array<i32>} : memref<5x48x256xf32, #tpu.memory_space<vmem>>, vector<1x1x16xf32>,
        %parallel_loop3A_449 = vector.shape_cast %parallel_loop3A_448 : vector<1x1x16xf32> to vector<16xf32>
        %parallel_loop3A_450 = arith.maximumf %parallel_loop3A_374, %parallel_loop3A_449 : vector<16xf32>
        %parallel_loop3A_451 = arith.index_cast %select_n3A_324 : i32 to index
        %parallel_loop3A_452 = arith.index_cast %parallel_loop3A_362 : i32 to index
        %parallel_loop3A_453 = arith.constant 192 : index
        %parallel_loop3A_454 = tpu.vector_load %arg6[%parallel_loop3A_451, %parallel_loop3A_452, %parallel_loop3A_453] {strides = array<i32>} : memref<5x48x256xf32, #tpu.memory_space<vmem>>, vector<1x1x16xf32>,
        %parallel_loop3A_455 = vector.shape_cast %parallel_loop3A_454 : vector<1x1x16xf32> to vector<16xf32>
        %parallel_loop3A_456 = arith.maximumf %parallel_loop3A_375, %parallel_loop3A_455 : vector<16xf32>
        %parallel_loop3A_457 = arith.index_cast %select_n3A_324 : i32 to index
        %parallel_loop3A_458 = arith.index_cast %parallel_loop3A_362 : i32 to index
        %parallel_loop3A_459 = arith.constant 208 : index
        %parallel_loop3A_460 = tpu.vector_load %arg6[%parallel_loop3A_457, %parallel_loop3A_458, %parallel_loop3A_459] {strides = array<i32>} : memref<5x48x256xf32, #tpu.memory_space<vmem>>, vector<1x1x16xf32>,
        %parallel_loop3A_461 = vector.shape_cast %parallel_loop3A_460 : vector<1x1x16xf32> to vector<16xf32>
        %parallel_loop3A_462 = arith.maximumf %parallel_loop3A_376, %parallel_loop3A_461 : vector<16xf32>
        %parallel_loop3A_463 = arith.index_cast %select_n3A_324 : i32 to index
        %parallel_loop3A_464 = arith.index_cast %parallel_loop3A_362 : i32 to index
        %parallel_loop3A_465 = arith.constant 224 : index
        %parallel_loop3A_466 = tpu.vector_load %arg6[%parallel_loop3A_463, %parallel_loop3A_464, %parallel_loop3A_465] {strides = array<i32>} : memref<5x48x256xf32, #tpu.memory_space<vmem>>, vector<1x1x16xf32>,
        %parallel_loop3A_467 = vector.shape_cast %parallel_loop3A_466 : vector<1x1x16xf32> to vector<16xf32>
        %parallel_loop3A_468 = arith.maximumf %parallel_loop3A_377, %parallel_loop3A_467 : vector<16xf32>
        %parallel_loop3A_469 = arith.index_cast %select_n3A_324 : i32 to index
        %parallel_loop3A_470 = arith.index_cast %parallel_loop3A_362 : i32 to index
        %parallel_loop3A_471 = arith.constant 240 : index
        %parallel_loop3A_472 = tpu.vector_load %arg6[%parallel_loop3A_469, %parallel_loop3A_470, %parallel_loop3A_471] {strides = array<i32>} : memref<5x48x256xf32, #tpu.memory_space<vmem>>, vector<1x1x16xf32>,
        %parallel_loop3A_473 = vector.shape_cast %parallel_loop3A_472 : vector<1x1x16xf32> to vector<16xf32>
        %parallel_loop3A_474 = arith.maximumf %parallel_loop3A_378, %parallel_loop3A_473 : vector<16xf32>
        scf.yield %parallel_loop3A_384, %parallel_loop3A_390, %parallel_loop3A_396, %parallel_loop3A_402, %parallel_loop3A_408, %parallel_loop3A_414, %parallel_loop3A_420, %parallel_loop3A_426, %parallel_loop3A_432, %parallel_loop3A_438, %parallel_loop3A_444, %parallel_loop3A_450, %parallel_loop3A_456, %parallel_loop3A_462, %parallel_loop3A_468, %parallel_loop3A_474 : vector<16xf32>, vector<16xf32>, vector<16xf32>, vector<16xf32>, vector<16xf32>, vector<16xf32>, vector<16xf32>, vector<16xf32>, vector<16xf32>, vector<16xf32>, vector<16xf32>, vector<16xf32>, vector<16xf32>, vector<16xf32>, vector<16xf32>, vector<16xf32>
      } {sc.loop_unroll_factor = 2 : i64, sc.parallel_access}
      %parallel_loop3A_360 = arith.constant 1 : i32
      %parallel_loop3A_361:16 = scf.for %parallel_loop3A_362 = %min3A_358 to %min3A_355 step %parallel_loop3A_360 iter_args(%parallel_loop3A_363 = %while3A_295, %parallel_loop3A_364 = %while3A_296, %parallel_loop3A_365 = %while3A_297, %parallel_loop3A_366 = %while3A_298, %parallel_loop3A_367 = %while3A_299, %parallel_loop3A_368 = %while3A_300, %parallel_loop3A_369 = %while3A_301, %parallel_loop3A_370 = %while3A_302, %parallel_loop3A_371 = %while3A_303, %parallel_loop3A_372 = %while3A_304, %parallel_loop3A_373 = %while3A_305, %parallel_loop3A_374 = %while3A_306, %parallel_loop3A_375 = %while3A_307, %parallel_loop3A_376 = %while3A_308, %parallel_loop3A_377 = %while3A_309, %parallel_loop3A_378 = %while3A_310) -> (vector<16xf32>, vector<16xf32>, vector<16xf32>, vector<16xf32>, vector<16xf32>, vector<16xf32>, vector<16xf32>, vector<16xf32>, vector<16xf32>, vector<16xf32>, vector<16xf32>, vector<16xf32>, vector<16xf32>, vector<16xf32>, vector<16xf32>, vector<16xf32>)  : i32 {
        %parallel_loop3A_379 = arith.index_cast %select_n3A_324 : i32 to index
        %parallel_loop3A_380 = arith.index_cast %parallel_loop3A_362 : i32 to index
        %parallel_loop3A_381 = arith.constant 0 : index
        %parallel_loop3A_382 = tpu.vector_load %arg6[%parallel_loop3A_379, %parallel_loop3A_380, %parallel_loop3A_381] {strides = array<i32>} : memref<5x48x256xf32, #tpu.memory_space<vmem>>, vector<1x1x16xf32>,
        %parallel_loop3A_383 = vector.shape_cast %parallel_loop3A_382 : vector<1x1x16xf32> to vector<16xf32>
        %parallel_loop3A_384 = arith.maximumf %parallel_loop3A_363, %parallel_loop3A_383 : vector<16xf32>
        %parallel_loop3A_385 = arith.index_cast %select_n3A_324 : i32 to index
        %parallel_loop3A_386 = arith.index_cast %parallel_loop3A_362 : i32 to index
        %parallel_loop3A_387 = arith.constant 16 : index
        %parallel_loop3A_388 = tpu.vector_load %arg6[%parallel_loop3A_385, %parallel_loop3A_386, %parallel_loop3A_387] {strides = array<i32>} : memref<5x48x256xf32, #tpu.memory_space<vmem>>, vector<1x1x16xf32>,
        %parallel_loop3A_389 = vector.shape_cast %parallel_loop3A_388 : vector<1x1x16xf32> to vector<16xf32>
        %parallel_loop3A_390 = arith.maximumf %parallel_loop3A_364, %parallel_loop3A_389 : vector<16xf32>
        %parallel_loop3A_391 = arith.index_cast %select_n3A_324 : i32 to index
        %parallel_loop3A_392 = arith.index_cast %parallel_loop3A_362 : i32 to index
        %parallel_loop3A_393 = arith.constant 32 : index
        %parallel_loop3A_394 = tpu.vector_load %arg6[%parallel_loop3A_391, %parallel_loop3A_392, %parallel_loop3A_393] {strides = array<i32>} : memref<5x48x256xf32, #tpu.memory_space<vmem>>, vector<1x1x16xf32>,
        %parallel_loop3A_395 = vector.shape_cast %parallel_loop3A_394 : vector<1x1x16xf32> to vector<16xf32>
        %parallel_loop3A_396 = arith.maximumf %parallel_loop3A_365, %parallel_loop3A_395 : vector<16xf32>
        %parallel_loop3A_397 = arith.index_cast %select_n3A_324 : i32 to index
        %parallel_loop3A_398 = arith.index_cast %parallel_loop3A_362 : i32 to index
        %parallel_loop3A_399 = arith.constant 48 : index
        %parallel_loop3A_400 = tpu.vector_load %arg6[%parallel_loop3A_397, %parallel_loop3A_398, %parallel_loop3A_399] {strides = array<i32>} : memref<5x48x256xf32, #tpu.memory_space<vmem>>, vector<1x1x16xf32>,
        %parallel_loop3A_401 = vector.shape_cast %parallel_loop3A_400 : vector<1x1x16xf32> to vector<16xf32>
        %parallel_loop3A_402 = arith.maximumf %parallel_loop3A_366, %parallel_loop3A_401 : vector<16xf32>
        %parallel_loop3A_403 = arith.index_cast %select_n3A_324 : i32 to index
        %parallel_loop3A_404 = arith.index_cast %parallel_loop3A_362 : i32 to index
        %parallel_loop3A_405 = arith.constant 64 : index
        %parallel_loop3A_406 = tpu.vector_load %arg6[%parallel_loop3A_403, %parallel_loop3A_404, %parallel_loop3A_405] {strides = array<i32>} : memref<5x48x256xf32, #tpu.memory_space<vmem>>, vector<1x1x16xf32>,
        %parallel_loop3A_407 = vector.shape_cast %parallel_loop3A_406 : vector<1x1x16xf32> to vector<16xf32>
        %parallel_loop3A_408 = arith.maximumf %parallel_loop3A_367, %parallel_loop3A_407 : vector<16xf32>
        %parallel_loop3A_409 = arith.index_cast %select_n3A_324 : i32 to index
        %parallel_loop3A_410 = arith.index_cast %parallel_loop3A_362 : i32 to index
        %parallel_loop3A_411 = arith.constant 80 : index
        %parallel_loop3A_412 = tpu.vector_load %arg6[%parallel_loop3A_409, %parallel_loop3A_410, %parallel_loop3A_411] {strides = array<i32>} : memref<5x48x256xf32, #tpu.memory_space<vmem>>, vector<1x1x16xf32>,
        %parallel_loop3A_413 = vector.shape_cast %parallel_loop3A_412 : vector<1x1x16xf32> to vector<16xf32>
        %parallel_loop3A_414 = arith.maximumf %parallel_loop3A_368, %parallel_loop3A_413 : vector<16xf32>
        %parallel_loop3A_415 = arith.index_cast %select_n3A_324 : i32 to index
        %parallel_loop3A_416 = arith.index_cast %parallel_loop3A_362 : i32 to index
        %parallel_loop3A_417 = arith.constant 96 : index
        %parallel_loop3A_418 = tpu.vector_load %arg6[%parallel_loop3A_415, %parallel_loop3A_416, %parallel_loop3A_417] {strides = array<i32>} : memref<5x48x256xf32, #tpu.memory_space<vmem>>, vector<1x1x16xf32>,
        %parallel_loop3A_419 = vector.shape_cast %parallel_loop3A_418 : vector<1x1x16xf32> to vector<16xf32>
        %parallel_loop3A_420 = arith.maximumf %parallel_loop3A_369, %parallel_loop3A_419 : vector<16xf32>
        %parallel_loop3A_421 = arith.index_cast %select_n3A_324 : i32 to index
        %parallel_loop3A_422 = arith.index_cast %parallel_loop3A_362 : i32 to index
        %parallel_loop3A_423 = arith.constant 112 : index
        %parallel_loop3A_424 = tpu.vector_load %arg6[%parallel_loop3A_421, %parallel_loop3A_422, %parallel_loop3A_423] {strides = array<i32>} : memref<5x48x256xf32, #tpu.memory_space<vmem>>, vector<1x1x16xf32>,
        %parallel_loop3A_425 = vector.shape_cast %parallel_loop3A_424 : vector<1x1x16xf32> to vector<16xf32>
        %parallel_loop3A_426 = arith.maximumf %parallel_loop3A_370, %parallel_loop3A_425 : vector<16xf32>
        %parallel_loop3A_427 = arith.index_cast %select_n3A_324 : i32 to index
        %parallel_loop3A_428 = arith.index_cast %parallel_loop3A_362 : i32 to index
        %parallel_loop3A_429 = arith.constant 128 : index
        %parallel_loop3A_430 = tpu.vector_load %arg6[%parallel_loop3A_427, %parallel_loop3A_428, %parallel_loop3A_429] {strides = array<i32>} : memref<5x48x256xf32, #tpu.memory_space<vmem>>, vector<1x1x16xf32>,
        %parallel_loop3A_431 = vector.shape_cast %parallel_loop3A_430 : vector<1x1x16xf32> to vector<16xf32>
        %parallel_loop3A_432 = arith.maximumf %parallel_loop3A_371, %parallel_loop3A_431 : vector<16xf32>
        %parallel_loop3A_433 = arith.index_cast %select_n3A_324 : i32 to index
        %parallel_loop3A_434 = arith.index_cast %parallel_loop3A_362 : i32 to index
        %parallel_loop3A_435 = arith.constant 144 : index
        %parallel_loop3A_436 = tpu.vector_load %arg6[%parallel_loop3A_433, %parallel_loop3A_434, %parallel_loop3A_435] {strides = array<i32>} : memref<5x48x256xf32, #tpu.memory_space<vmem>>, vector<1x1x16xf32>,
        %parallel_loop3A_437 = vector.shape_cast %parallel_loop3A_436 : vector<1x1x16xf32> to vector<16xf32>
        %parallel_loop3A_438 = arith.maximumf %parallel_loop3A_372, %parallel_loop3A_437 : vector<16xf32>
        %parallel_loop3A_439 = arith.index_cast %select_n3A_324 : i32 to index
        %parallel_loop3A_440 = arith.index_cast %parallel_loop3A_362 : i32 to index
        %parallel_loop3A_441 = arith.constant 160 : index
        %parallel_loop3A_442 = tpu.vector_load %arg6[%parallel_loop3A_439, %parallel_loop3A_440, %parallel_loop3A_441] {strides = array<i32>} : memref<5x48x256xf32, #tpu.memory_space<vmem>>, vector<1x1x16xf32>,
        %parallel_loop3A_443 = vector.shape_cast %parallel_loop3A_442 : vector<1x1x16xf32> to vector<16xf32>
        %parallel_loop3A_444 = arith.maximumf %parallel_loop3A_373, %parallel_loop3A_443 : vector<16xf32>
        %parallel_loop3A_445 = arith.index_cast %select_n3A_324 : i32 to index
        %parallel_loop3A_446 = arith.index_cast %parallel_loop3A_362 : i32 to index
        %parallel_loop3A_447 = arith.constant 176 : index
        %parallel_loop3A_448 = tpu.vector_load %arg6[%parallel_loop3A_445, %parallel_loop3A_446, %parallel_loop3A_447] {strides = array<i32>} : memref<5x48x256xf32, #tpu.memory_space<vmem>>, vector<1x1x16xf32>,
        %parallel_loop3A_449 = vector.shape_cast %parallel_loop3A_448 : vector<1x1x16xf32> to vector<16xf32>
        %parallel_loop3A_450 = arith.maximumf %parallel_loop3A_374, %parallel_loop3A_449 : vector<16xf32>
        %parallel_loop3A_451 = arith.index_cast %select_n3A_324 : i32 to index
        %parallel_loop3A_452 = arith.index_cast %parallel_loop3A_362 : i32 to index
        %parallel_loop3A_453 = arith.constant 192 : index
        %parallel_loop3A_454 = tpu.vector_load %arg6[%parallel_loop3A_451, %parallel_loop3A_452, %parallel_loop3A_453] {strides = array<i32>} : memref<5x48x256xf32, #tpu.memory_space<vmem>>, vector<1x1x16xf32>,
        %parallel_loop3A_455 = vector.shape_cast %parallel_loop3A_454 : vector<1x1x16xf32> to vector<16xf32>
        %parallel_loop3A_456 = arith.maximumf %parallel_loop3A_375, %parallel_loop3A_455 : vector<16xf32>
        %parallel_loop3A_457 = arith.index_cast %select_n3A_324 : i32 to index
        %parallel_loop3A_458 = arith.index_cast %parallel_loop3A_362 : i32 to index
        %parallel_loop3A_459 = arith.constant 208 : index
        %parallel_loop3A_460 = tpu.vector_load %arg6[%parallel_loop3A_457, %parallel_loop3A_458, %parallel_loop3A_459] {strides = array<i32>} : memref<5x48x256xf32, #tpu.memory_space<vmem>>, vector<1x1x16xf32>,
        %parallel_loop3A_461 = vector.shape_cast %parallel_loop3A_460 : vector<1x1x16xf32> to vector<16xf32>
        %parallel_loop3A_462 = arith.maximumf %parallel_loop3A_376, %parallel_loop3A_461 : vector<16xf32>
        %parallel_loop3A_463 = arith.index_cast %select_n3A_324 : i32 to index
        %parallel_loop3A_464 = arith.index_cast %parallel_loop3A_362 : i32 to index
        %parallel_loop3A_465 = arith.constant 224 : index
        %parallel_loop3A_466 = tpu.vector_load %arg6[%parallel_loop3A_463, %parallel_loop3A_464, %parallel_loop3A_465] {strides = array<i32>} : memref<5x48x256xf32, #tpu.memory_space<vmem>>, vector<1x1x16xf32>,
        %parallel_loop3A_467 = vector.shape_cast %parallel_loop3A_466 : vector<1x1x16xf32> to vector<16xf32>
        %parallel_loop3A_468 = arith.maximumf %parallel_loop3A_377, %parallel_loop3A_467 : vector<16xf32>
        %parallel_loop3A_469 = arith.index_cast %select_n3A_324 : i32 to index
        %parallel_loop3A_470 = arith.index_cast %parallel_loop3A_362 : i32 to index
        %parallel_loop3A_471 = arith.constant 240 : index
        %parallel_loop3A_472 = tpu.vector_load %arg6[%parallel_loop3A_469, %parallel_loop3A_470, %parallel_loop3A_471] {strides = array<i32>} : memref<5x48x256xf32, #tpu.memory_space<vmem>>, vector<1x1x16xf32>,
        %parallel_loop3A_473 = vector.shape_cast %parallel_loop3A_472 : vector<1x1x16xf32> to vector<16xf32>
        %parallel_loop3A_474 = arith.maximumf %parallel_loop3A_378, %parallel_loop3A_473 : vector<16xf32>
        scf.yield %parallel_loop3A_384, %parallel_loop3A_390, %parallel_loop3A_396, %parallel_loop3A_402, %parallel_loop3A_408, %parallel_loop3A_414, %parallel_loop3A_420, %parallel_loop3A_426, %parallel_loop3A_432, %parallel_loop3A_438, %parallel_loop3A_444, %parallel_loop3A_450, %parallel_loop3A_456, %parallel_loop3A_462, %parallel_loop3A_468, %parallel_loop3A_474 : vector<16xf32>, vector<16xf32>, vector<16xf32>, vector<16xf32>, vector<16xf32>, vector<16xf32>, vector<16xf32>, vector<16xf32>, vector<16xf32>, vector<16xf32>, vector<16xf32>, vector<16xf32>, vector<16xf32>, vector<16xf32>, vector<16xf32>, vector<16xf32>
      } {sc.loop_unroll_factor = 2 : i64, sc.parallel_access}
      scf.yield %parallel_loop3A_359#0, %parallel_loop3A_359#1, %parallel_loop3A_359#2, %parallel_loop3A_359#3, %parallel_loop3A_359#4, %parallel_loop3A_359#5, %parallel_loop3A_359#6, %parallel_loop3A_359#7, %parallel_loop3A_359#8, %parallel_loop3A_359#9, %parallel_loop3A_359#10, %parallel_loop3A_359#11, %parallel_loop3A_359#12, %parallel_loop3A_359#13, %parallel_loop3A_359#14, %parallel_loop3A_359#15, %parallel_loop3A_361#0, %parallel_loop3A_361#1, %parallel_loop3A_361#2, %parallel_loop3A_361#3, %parallel_loop3A_361#4, %parallel_loop3A_361#5, %parallel_loop3A_361#6, %parallel_loop3A_361#7, %parallel_loop3A_361#8, %parallel_loop3A_361#9, %parallel_loop3A_361#10, %parallel_loop3A_361#11, %parallel_loop3A_361#12, %parallel_loop3A_361#13, %parallel_loop3A_361#14, %parallel_loop3A_361#15 : vector<16xf32>, vector<16xf32>, vector<16xf32>, vector<16xf32>, vector<16xf32>, vector<16xf32>, vector<16xf32>, vector<16xf32>, vector<16xf32>, vector<16xf32>, vector<16xf32>, vector<16xf32>, vector<16xf32>, vector<16xf32>, vector<16xf32>, vector<16xf32>, vector<16xf32>, vector<16xf32>, vector<16xf32>, vector<16xf32>, vector<16xf32>, vector<16xf32>, vector<16xf32>, vector<16xf32>, vector<16xf32>, vector<16xf32>, vector<16xf32>, vector<16xf32>, vector<16xf32>, vector<16xf32>, vector<16xf32>, vector<16xf32>
    }
    %while3A_83 = arith.constant 1 : i32
    %while3A_84:32 = scf.for %while3A_278 = %while3A_80 to %while3A_76 step %while3A_83 iter_args(%while3A_279 = %while3A_82#0, %while3A_280 = %while3A_82#1, %while3A_281 = %while3A_82#2, %while3A_282 = %while3A_82#3, %while3A_283 = %while3A_82#4, %while3A_284 = %while3A_82#5, %while3A_285 = %while3A_82#6, %while3A_286 = %while3A_82#7, %while3A_287 = %while3A_82#8, %while3A_288 = %while3A_82#9, %while3A_289 = %while3A_82#10, %while3A_290 = %while3A_82#11, %while3A_291 = %while3A_82#12, %while3A_292 = %while3A_82#13, %while3A_293 = %while3A_82#14, %while3A_294 = %while3A_82#15, %while3A_295 = %while3A_82#16, %while3A_296 = %while3A_82#17, %while3A_297 = %while3A_82#18, %while3A_298 = %while3A_82#19, %while3A_299 = %while3A_82#20, %while3A_300 = %while3A_82#21, %while3A_301 = %while3A_82#22, %while3A_302 = %while3A_82#23, %while3A_303 = %while3A_82#24, %while3A_304 = %while3A_82#25, %while3A_305 = %while3A_82#26, %while3A_306 = %while3A_82#27, %while3A_307 = %while3A_82#28, %while3A_308 = %while3A_82#29, %while3A_309 = %while3A_82#30, %while3A_310 = %while3A_82#31) -> (vector<16xf32>, vector<16xf32>, vector<16xf32>, vector<16xf32>, vector<16xf32>, vector<16xf32>, vector<16xf32>, vector<16xf32>, vector<16xf32>, vector<16xf32>, vector<16xf32>, vector<16xf32>, vector<16xf32>, vector<16xf32>, vector<16xf32>, vector<16xf32>, vector<16xf32>, vector<16xf32>, vector<16xf32>, vector<16xf32>, vector<16xf32>, vector<16xf32>, vector<16xf32>, vector<16xf32>, vector<16xf32>, vector<16xf32>, vector<16xf32>, vector<16xf32>, vector<16xf32>, vector<16xf32>, vector<16xf32>, vector<16xf32>)  : i32 {
      %jit3A_311 = arith.constant 5 : i32
      %eq3A = arith.constant 0 : i32
      %eq3A_312 = arith.cmpi eq, %jit3A_311, %eq3A : i32
      %jit3A_313 = arith.constant 1 : i32
      %select_n3A_314 = arith.select %eq3A_312, %jit3A_313, %jit3A_311 : i32
      %rem3A_315 = arith.remsi %while3A_278, %select_n3A_314 : i32
      %ne3A_316 = arith.constant 0 : i32
      %ne3A_317 = arith.cmpi ne, %rem3A_315, %ne3A_316 : i32
      %lt3A = arith.constant 0 : i32
      %lt3A_318 = arith.cmpi slt, %rem3A_315, %lt3A : i32
      %lt3A_319 = arith.constant 0 : i32
      %lt3A_320 = arith.cmpi slt, %select_n3A_314, %lt3A_319 : i32
      %ne3A_321 = arith.xori %lt3A_318, %lt3A_320 : i1
      %and3A_322 = arith.andi %ne3A_321, %ne3A_317 : i1
      %add3A_323 = arith.addi %rem3A_315, %select_n3A_314 : i32
      %select_n3A_324 = arith.select %and3A_322, %add3A_323, %rem3A_315 : i32
      %mul3A_325 = arith.constant 48 : i32
      %mul3A_326 = arith.muli %while3A_278, %mul3A_325 : i32
      %add3A_327 = arith.addi %mul3A_26, %mul3A_326 : i32
      %min3A = arith.constant 49952 : i32
      %min3A_328 = arith.minsi %add3A_327, %min3A : i32
      %multiple_of3A = tpu.assume_multiple %min3A_328, 8 : i32
      %dma_wait3A = arith.constant 0 : i32
      %dma_wait3A_329 = arith.constant 0 : i32
      %dma_wait3A_330 = tpu.memref_slice %arg6[%select_n3A_324, %dma_wait3A, %dma_wait3A_329] : memref<5x48x256xf32, #tpu.memory_space<vmem>> -> memref<1x48x256xf32, #tpu.memory_space<vmem>>
      %dma_wait3A_331 = tpu.memref_squeeze %dma_wait3A_330 : memref<1x48x256xf32, #tpu.memory_space<vmem>> -> memref<48x256xf32, #tpu.memory_space<vmem>>
      %dma_wait3A_332 = arith.constant 0 : i32
      %dma_wait3A_333 = tpu.memref_slice %arg2[%multiple_of3A, %dma_wait3A_332] : memref<50000x256xf32, #tpu.memory_space<hbm>> -> memref<48x256xf32, #tpu.memory_space<hbm>>
      %dma_wait3A_334 = tpu.memref_slice %arg8[%select_n3A_324] : memref<5x!tpu.dma_semaphore, #tpu.memory_space<semaphore_mem>> -> memref<1x!tpu.dma_semaphore, #tpu.memory_space<semaphore_mem>>
      %dma_wait3A_335 = tpu.memref_squeeze %dma_wait3A_334 : memref<1x!tpu.dma_semaphore, #tpu.memory_space<semaphore_mem>> -> memref<!tpu.dma_semaphore, #tpu.memory_space<semaphore_mem>>
      %dma_wait3A_336 = arith.constant 0 : i32
      %dma_wait3A_337 = arith.constant 0 : i32
      %dma_wait3A_338 = tpu.memref_slice %arg6[%select_n3A_324, %dma_wait3A_336, %dma_wait3A_337] : memref<5x48x256xf32, #tpu.memory_space<vmem>> -> memref<1x48x256xf32, #tpu.memory_space<vmem>>
      %dma_wait3A_339 = tpu.memref_squeeze %dma_wait3A_338 : memref<1x48x256xf32, #tpu.memory_space<vmem>> -> memref<48x256xf32, #tpu.memory_space<vmem>>
      %dma_wait3A_340 = arith.constant 0 : i32
      %dma_wait3A_341 = tpu.memref_slice %arg2[%multiple_of3A, %dma_wait3A_340] : memref<50000x256xf32, #tpu.memory_space<hbm>> -> memref<48x256xf32, #tpu.memory_space<hbm>>
      tpu.wait_dma2 semaphore(%dma_wait3A_335 : memref<!tpu.dma_semaphore, #tpu.memory_space<semaphore_mem>>) src(%dma_wait3A_341 : memref<48x256xf32, #tpu.memory_space<hbm>>) dst(%dma_wait3A_339 : memref<48x256xf32, #tpu.memory_space<vmem>>)
      %add3A_342 = arith.constant 5 : i32
      %add3A_343 = arith.addi %while3A_278, %add3A_342 : i32
      %sub3A_344 = arith.constant 1 : i32
      %sub3A_345 = arith.subi %add3A_343, %sub3A_344 : i32
      %lt3A_346 = arith.cmpi slt, %sub3A_345, %max3A_56 : i32
      %convert_element_type3A_347 = arith.extui %lt3A_346 : i1 to i32
      %cond3A_348 = arith.constant 0 : i32
      %cond3A_349 = arith.cmpi ne, %convert_element_type3A_347, %cond3A_348 : i32
      scf.if %cond3A_349 {
        %add3A_362 = arith.constant 5 : i32
        %add3A_363 = arith.addi %while3A_278, %add3A_362 : i32
        %sub3A_364 = arith.constant 1 : i32
        %sub3A_365 = arith.subi %add3A_363, %sub3A_364 : i32
        %jit3A_366 = arith.constant 5 : i32
        %eq3A_367 = arith.constant 0 : i32
        %eq3A_368 = arith.cmpi eq, %jit3A_366, %eq3A_367 : i32
        %jit3A_369 = arith.constant 1 : i32
        %select_n3A_370 = arith.select %eq3A_368, %jit3A_369, %jit3A_366 : i32
        %rem3A_371 = arith.remsi %sub3A_365, %select_n3A_370 : i32
        %ne3A_372 = arith.constant 0 : i32
        %ne3A_373 = arith.cmpi ne, %rem3A_371, %ne3A_372 : i32
        %lt3A_374 = arith.constant 0 : i32
        %lt3A_375 = arith.cmpi slt, %rem3A_371, %lt3A_374 : i32
        %lt3A_376 = arith.constant 0 : i32
        %lt3A_377 = arith.cmpi slt, %select_n3A_370, %lt3A_376 : i32
        %ne3A_378 = arith.xori %lt3A_375, %lt3A_377 : i1
        %and3A_379 = arith.andi %ne3A_378, %ne3A_373 : i1
        %add3A_380 = arith.addi %rem3A_371, %select_n3A_370 : i32
        %select_n3A_381 = arith.select %and3A_379, %add3A_380, %rem3A_371 : i32
        %add3A_382 = arith.constant 5 : i32
        %add3A_383 = arith.addi %while3A_278, %add3A_382 : i32
        %sub3A_384 = arith.constant 1 : i32
        %sub3A_385 = arith.subi %add3A_383, %sub3A_384 : i32
        %mul3A_386 = arith.constant 48 : i32
        %mul3A_387 = arith.muli %sub3A_385, %mul3A_386 : i32
        %add3A_388 = arith.addi %mul3A_26, %mul3A_387 : i32
        %min3A_389 = arith.constant 49952 : i32
        %min3A_390 = arith.minsi %add3A_388, %min3A_389 : i32
        %multiple_of3A_391 = tpu.assume_multiple %min3A_390, 8 : i32
        %dma_start3A = arith.constant 0 : i32
        %dma_start3A_392 = arith.constant 0 : i32
        %dma_start3A_393 = tpu.memref_slice %arg6[%select_n3A_381, %dma_start3A, %dma_start3A_392] : memref<5x48x256xf32, #tpu.memory_space<vmem>> -> memref<1x48x256xf32, #tpu.memory_space<vmem>>
        %dma_start3A_394 = tpu.memref_squeeze %dma_start3A_393 : memref<1x48x256xf32, #tpu.memory_space<vmem>> -> memref<48x256xf32, #tpu.memory_space<vmem>>
        %dma_start3A_395 = arith.constant 0 : i32
        %dma_start3A_396 = tpu.memref_slice %arg2[%multiple_of3A_391, %dma_start3A_395] : memref<50000x256xf32, #tpu.memory_space<hbm>> -> memref<48x256xf32, #tpu.memory_space<hbm>>
        %dma_start3A_397 = tpu.memref_slice %arg8[%select_n3A_381] : memref<5x!tpu.dma_semaphore, #tpu.memory_space<semaphore_mem>> -> memref<1x!tpu.dma_semaphore, #tpu.memory_space<semaphore_mem>>
        %dma_start3A_398 = tpu.memref_squeeze %dma_start3A_397 : memref<1x!tpu.dma_semaphore, #tpu.memory_space<semaphore_mem>> -> memref<!tpu.dma_semaphore, #tpu.memory_space<semaphore_mem>>
        %dma_start3A_399 = arith.constant 0 : i32
        %dma_start3A_400 = arith.constant 0 : i32
        %dma_start3A_401 = tpu.memref_slice %arg6[%select_n3A_381, %dma_start3A_399, %dma_start3A_400] : memref<5x48x256xf32, #tpu.memory_space<vmem>> -> memref<1x48x256xf32, #tpu.memory_space<vmem>>
        %dma_start3A_402 = tpu.memref_squeeze %dma_start3A_401 : memref<1x48x256xf32, #tpu.memory_space<vmem>> -> memref<48x256xf32, #tpu.memory_space<vmem>>
        %dma_start3A_403 = arith.constant 0 : i32
        %dma_start3A_404 = tpu.memref_slice %arg2[%multiple_of3A_391, %dma_start3A_403] : memref<50000x256xf32, #tpu.memory_space<hbm>> -> memref<48x256xf32, #tpu.memory_space<hbm>>
        tpu.enqueue_dma source(%dma_start3A_404 : memref<48x256xf32, #tpu.memory_space<hbm>>) target(%dma_start3A_402 : memref<48x256xf32, #tpu.memory_space<vmem>>) target_semaphore(%dma_start3A_398 : memref<!tpu.dma_semaphore, #tpu.memory_space<semaphore_mem>>)
      } else {
      }
      %sub3A_350 = arith.subi %squeeze3A, %multiple_of3A : i32
      %max3A_351 = arith.constant 0 : i32
      %max3A_352 = arith.maxsi %sub3A_350, %max3A_351 : i32
      %sub3A_353 = arith.subi %squeeze3A_8, %multiple_of3A : i32
      %min3A_354 = arith.constant 48 : i32
      %min3A_355 = arith.minsi %sub3A_353, %min3A_354 : i32
      %sub3A_356 = arith.subi %squeeze3A_6, %multiple_of3A : i32
      %max3A_357 = arith.maxsi %sub3A_356, %max3A_352 : i32
      %min3A_358 = arith.minsi %max3A_357, %min3A_355 : i32
      %parallel_loop3A = arith.constant 1 : i32
      %parallel_loop3A_359:16 = scf.for %parallel_loop3A_362 = %max3A_352 to %min3A_358 step %parallel_loop3A iter_args(%parallel_loop3A_363 = %while3A_279, %parallel_loop3A_364 = %while3A_280, %parallel_loop3A_365 = %while3A_281, %parallel_loop3A_366 = %while3A_282, %parallel_loop3A_367 = %while3A_283, %parallel_loop3A_368 = %while3A_284, %parallel_loop3A_369 = %while3A_285, %parallel_loop3A_370 = %while3A_286, %parallel_loop3A_371 = %while3A_287, %parallel_loop3A_372 = %while3A_288, %parallel_loop3A_373 = %while3A_289, %parallel_loop3A_374 = %while3A_290, %parallel_loop3A_375 = %while3A_291, %parallel_loop3A_376 = %while3A_292, %parallel_loop3A_377 = %while3A_293, %parallel_loop3A_378 = %while3A_294) -> (vector<16xf32>, vector<16xf32>, vector<16xf32>, vector<16xf32>, vector<16xf32>, vector<16xf32>, vector<16xf32>, vector<16xf32>, vector<16xf32>, vector<16xf32>, vector<16xf32>, vector<16xf32>, vector<16xf32>, vector<16xf32>, vector<16xf32>, vector<16xf32>)  : i32 {
        %parallel_loop3A_379 = arith.index_cast %select_n3A_324 : i32 to index
        %parallel_loop3A_380 = arith.index_cast %parallel_loop3A_362 : i32 to index
        %parallel_loop3A_381 = arith.constant 0 : index
        %parallel_loop3A_382 = tpu.vector_load %arg6[%parallel_loop3A_379, %parallel_loop3A_380, %parallel_loop3A_381] {strides = array<i32>} : memref<5x48x256xf32, #tpu.memory_space<vmem>>, vector<1x1x16xf32>,
        %parallel_loop3A_383 = vector.shape_cast %parallel_loop3A_382 : vector<1x1x16xf32> to vector<16xf32>
        %parallel_loop3A_384 = arith.maximumf %parallel_loop3A_363, %parallel_loop3A_383 : vector<16xf32>
        %parallel_loop3A_385 = arith.index_cast %select_n3A_324 : i32 to index
        %parallel_loop3A_386 = arith.index_cast %parallel_loop3A_362 : i32 to index
        %parallel_loop3A_387 = arith.constant 16 : index
        %parallel_loop3A_388 = tpu.vector_load %arg6[%parallel_loop3A_385, %parallel_loop3A_386, %parallel_loop3A_387] {strides = array<i32>} : memref<5x48x256xf32, #tpu.memory_space<vmem>>, vector<1x1x16xf32>,
        %parallel_loop3A_389 = vector.shape_cast %parallel_loop3A_388 : vector<1x1x16xf32> to vector<16xf32>
        %parallel_loop3A_390 = arith.maximumf %parallel_loop3A_364, %parallel_loop3A_389 : vector<16xf32>
        %parallel_loop3A_391 = arith.index_cast %select_n3A_324 : i32 to index
        %parallel_loop3A_392 = arith.index_cast %parallel_loop3A_362 : i32 to index
        %parallel_loop3A_393 = arith.constant 32 : index
        %parallel_loop3A_394 = tpu.vector_load %arg6[%parallel_loop3A_391, %parallel_loop3A_392, %parallel_loop3A_393] {strides = array<i32>} : memref<5x48x256xf32, #tpu.memory_space<vmem>>, vector<1x1x16xf32>,
        %parallel_loop3A_395 = vector.shape_cast %parallel_loop3A_394 : vector<1x1x16xf32> to vector<16xf32>
        %parallel_loop3A_396 = arith.maximumf %parallel_loop3A_365, %parallel_loop3A_395 : vector<16xf32>
        %parallel_loop3A_397 = arith.index_cast %select_n3A_324 : i32 to index
        %parallel_loop3A_398 = arith.index_cast %parallel_loop3A_362 : i32 to index
        %parallel_loop3A_399 = arith.constant 48 : index
        %parallel_loop3A_400 = tpu.vector_load %arg6[%parallel_loop3A_397, %parallel_loop3A_398, %parallel_loop3A_399] {strides = array<i32>} : memref<5x48x256xf32, #tpu.memory_space<vmem>>, vector<1x1x16xf32>,
        %parallel_loop3A_401 = vector.shape_cast %parallel_loop3A_400 : vector<1x1x16xf32> to vector<16xf32>
        %parallel_loop3A_402 = arith.maximumf %parallel_loop3A_366, %parallel_loop3A_401 : vector<16xf32>
        %parallel_loop3A_403 = arith.index_cast %select_n3A_324 : i32 to index
        %parallel_loop3A_404 = arith.index_cast %parallel_loop3A_362 : i32 to index
        %parallel_loop3A_405 = arith.constant 64 : index
        %parallel_loop3A_406 = tpu.vector_load %arg6[%parallel_loop3A_403, %parallel_loop3A_404, %parallel_loop3A_405] {strides = array<i32>} : memref<5x48x256xf32, #tpu.memory_space<vmem>>, vector<1x1x16xf32>,
        %parallel_loop3A_407 = vector.shape_cast %parallel_loop3A_406 : vector<1x1x16xf32> to vector<16xf32>
        %parallel_loop3A_408 = arith.maximumf %parallel_loop3A_367, %parallel_loop3A_407 : vector<16xf32>
        %parallel_loop3A_409 = arith.index_cast %select_n3A_324 : i32 to index
        %parallel_loop3A_410 = arith.index_cast %parallel_loop3A_362 : i32 to index
        %parallel_loop3A_411 = arith.constant 80 : index
        %parallel_loop3A_412 = tpu.vector_load %arg6[%parallel_loop3A_409, %parallel_loop3A_410, %parallel_loop3A_411] {strides = array<i32>} : memref<5x48x256xf32, #tpu.memory_space<vmem>>, vector<1x1x16xf32>,
        %parallel_loop3A_413 = vector.shape_cast %parallel_loop3A_412 : vector<1x1x16xf32> to vector<16xf32>
        %parallel_loop3A_414 = arith.maximumf %parallel_loop3A_368, %parallel_loop3A_413 : vector<16xf32>
        %parallel_loop3A_415 = arith.index_cast %select_n3A_324 : i32 to index
        %parallel_loop3A_416 = arith.index_cast %parallel_loop3A_362 : i32 to index
        %parallel_loop3A_417 = arith.constant 96 : index
        %parallel_loop3A_418 = tpu.vector_load %arg6[%parallel_loop3A_415, %parallel_loop3A_416, %parallel_loop3A_417] {strides = array<i32>} : memref<5x48x256xf32, #tpu.memory_space<vmem>>, vector<1x1x16xf32>,
        %parallel_loop3A_419 = vector.shape_cast %parallel_loop3A_418 : vector<1x1x16xf32> to vector<16xf32>
        %parallel_loop3A_420 = arith.maximumf %parallel_loop3A_369, %parallel_loop3A_419 : vector<16xf32>
        %parallel_loop3A_421 = arith.index_cast %select_n3A_324 : i32 to index
        %parallel_loop3A_422 = arith.index_cast %parallel_loop3A_362 : i32 to index
        %parallel_loop3A_423 = arith.constant 112 : index
        %parallel_loop3A_424 = tpu.vector_load %arg6[%parallel_loop3A_421, %parallel_loop3A_422, %parallel_loop3A_423] {strides = array<i32>} : memref<5x48x256xf32, #tpu.memory_space<vmem>>, vector<1x1x16xf32>,
        %parallel_loop3A_425 = vector.shape_cast %parallel_loop3A_424 : vector<1x1x16xf32> to vector<16xf32>
        %parallel_loop3A_426 = arith.maximumf %parallel_loop3A_370, %parallel_loop3A_425 : vector<16xf32>
        %parallel_loop3A_427 = arith.index_cast %select_n3A_324 : i32 to index
        %parallel_loop3A_428 = arith.index_cast %parallel_loop3A_362 : i32 to index
        %parallel_loop3A_429 = arith.constant 128 : index
        %parallel_loop3A_430 = tpu.vector_load %arg6[%parallel_loop3A_427, %parallel_loop3A_428, %parallel_loop3A_429] {strides = array<i32>} : memref<5x48x256xf32, #tpu.memory_space<vmem>>, vector<1x1x16xf32>,
        %parallel_loop3A_431 = vector.shape_cast %parallel_loop3A_430 : vector<1x1x16xf32> to vector<16xf32>
        %parallel_loop3A_432 = arith.maximumf %parallel_loop3A_371, %parallel_loop3A_431 : vector<16xf32>
        %parallel_loop3A_433 = arith.index_cast %select_n3A_324 : i32 to index
        %parallel_loop3A_434 = arith.index_cast %parallel_loop3A_362 : i32 to index
        %parallel_loop3A_435 = arith.constant 144 : index
        %parallel_loop3A_436 = tpu.vector_load %arg6[%parallel_loop3A_433, %parallel_loop3A_434, %parallel_loop3A_435] {strides = array<i32>} : memref<5x48x256xf32, #tpu.memory_space<vmem>>, vector<1x1x16xf32>,
        %parallel_loop3A_437 = vector.shape_cast %parallel_loop3A_436 : vector<1x1x16xf32> to vector<16xf32>
        %parallel_loop3A_438 = arith.maximumf %parallel_loop3A_372, %parallel_loop3A_437 : vector<16xf32>
        %parallel_loop3A_439 = arith.index_cast %select_n3A_324 : i32 to index
        %parallel_loop3A_440 = arith.index_cast %parallel_loop3A_362 : i32 to index
        %parallel_loop3A_441 = arith.constant 160 : index
        %parallel_loop3A_442 = tpu.vector_load %arg6[%parallel_loop3A_439, %parallel_loop3A_440, %parallel_loop3A_441] {strides = array<i32>} : memref<5x48x256xf32, #tpu.memory_space<vmem>>, vector<1x1x16xf32>,
        %parallel_loop3A_443 = vector.shape_cast %parallel_loop3A_442 : vector<1x1x16xf32> to vector<16xf32>
        %parallel_loop3A_444 = arith.maximumf %parallel_loop3A_373, %parallel_loop3A_443 : vector<16xf32>
        %parallel_loop3A_445 = arith.index_cast %select_n3A_324 : i32 to index
        %parallel_loop3A_446 = arith.index_cast %parallel_loop3A_362 : i32 to index
        %parallel_loop3A_447 = arith.constant 176 : index
        %parallel_loop3A_448 = tpu.vector_load %arg6[%parallel_loop3A_445, %parallel_loop3A_446, %parallel_loop3A_447] {strides = array<i32>} : memref<5x48x256xf32, #tpu.memory_space<vmem>>, vector<1x1x16xf32>,
        %parallel_loop3A_449 = vector.shape_cast %parallel_loop3A_448 : vector<1x1x16xf32> to vector<16xf32>
        %parallel_loop3A_450 = arith.maximumf %parallel_loop3A_374, %parallel_loop3A_449 : vector<16xf32>
        %parallel_loop3A_451 = arith.index_cast %select_n3A_324 : i32 to index
        %parallel_loop3A_452 = arith.index_cast %parallel_loop3A_362 : i32 to index
        %parallel_loop3A_453 = arith.constant 192 : index
        %parallel_loop3A_454 = tpu.vector_load %arg6[%parallel_loop3A_451, %parallel_loop3A_452, %parallel_loop3A_453] {strides = array<i32>} : memref<5x48x256xf32, #tpu.memory_space<vmem>>, vector<1x1x16xf32>,
        %parallel_loop3A_455 = vector.shape_cast %parallel_loop3A_454 : vector<1x1x16xf32> to vector<16xf32>
        %parallel_loop3A_456 = arith.maximumf %parallel_loop3A_375, %parallel_loop3A_455 : vector<16xf32>
        %parallel_loop3A_457 = arith.index_cast %select_n3A_324 : i32 to index
        %parallel_loop3A_458 = arith.index_cast %parallel_loop3A_362 : i32 to index
        %parallel_loop3A_459 = arith.constant 208 : index
        %parallel_loop3A_460 = tpu.vector_load %arg6[%parallel_loop3A_457, %parallel_loop3A_458, %parallel_loop3A_459] {strides = array<i32>} : memref<5x48x256xf32, #tpu.memory_space<vmem>>, vector<1x1x16xf32>,
        %parallel_loop3A_461 = vector.shape_cast %parallel_loop3A_460 : vector<1x1x16xf32> to vector<16xf32>
        %parallel_loop3A_462 = arith.maximumf %parallel_loop3A_376, %parallel_loop3A_461 : vector<16xf32>
        %parallel_loop3A_463 = arith.index_cast %select_n3A_324 : i32 to index
        %parallel_loop3A_464 = arith.index_cast %parallel_loop3A_362 : i32 to index
        %parallel_loop3A_465 = arith.constant 224 : index
        %parallel_loop3A_466 = tpu.vector_load %arg6[%parallel_loop3A_463, %parallel_loop3A_464, %parallel_loop3A_465] {strides = array<i32>} : memref<5x48x256xf32, #tpu.memory_space<vmem>>, vector<1x1x16xf32>,
        %parallel_loop3A_467 = vector.shape_cast %parallel_loop3A_466 : vector<1x1x16xf32> to vector<16xf32>
        %parallel_loop3A_468 = arith.maximumf %parallel_loop3A_377, %parallel_loop3A_467 : vector<16xf32>
        %parallel_loop3A_469 = arith.index_cast %select_n3A_324 : i32 to index
        %parallel_loop3A_470 = arith.index_cast %parallel_loop3A_362 : i32 to index
        %parallel_loop3A_471 = arith.constant 240 : index
        %parallel_loop3A_472 = tpu.vector_load %arg6[%parallel_loop3A_469, %parallel_loop3A_470, %parallel_loop3A_471] {strides = array<i32>} : memref<5x48x256xf32, #tpu.memory_space<vmem>>, vector<1x1x16xf32>,
        %parallel_loop3A_473 = vector.shape_cast %parallel_loop3A_472 : vector<1x1x16xf32> to vector<16xf32>
        %parallel_loop3A_474 = arith.maximumf %parallel_loop3A_378, %parallel_loop3A_473 : vector<16xf32>
        scf.yield %parallel_loop3A_384, %parallel_loop3A_390, %parallel_loop3A_396, %parallel_loop3A_402, %parallel_loop3A_408, %parallel_loop3A_414, %parallel_loop3A_420, %parallel_loop3A_426, %parallel_loop3A_432, %parallel_loop3A_438, %parallel_loop3A_444, %parallel_loop3A_450, %parallel_loop3A_456, %parallel_loop3A_462, %parallel_loop3A_468, %parallel_loop3A_474 : vector<16xf32>, vector<16xf32>, vector<16xf32>, vector<16xf32>, vector<16xf32>, vector<16xf32>, vector<16xf32>, vector<16xf32>, vector<16xf32>, vector<16xf32>, vector<16xf32>, vector<16xf32>, vector<16xf32>, vector<16xf32>, vector<16xf32>, vector<16xf32>
      } {sc.loop_unroll_factor = 2 : i64, sc.parallel_access}
      %parallel_loop3A_360 = arith.constant 1 : i32
      %parallel_loop3A_361:16 = scf.for %parallel_loop3A_362 = %min3A_358 to %min3A_355 step %parallel_loop3A_360 iter_args(%parallel_loop3A_363 = %while3A_295, %parallel_loop3A_364 = %while3A_296, %parallel_loop3A_365 = %while3A_297, %parallel_loop3A_366 = %while3A_298, %parallel_loop3A_367 = %while3A_299, %parallel_loop3A_368 = %while3A_300, %parallel_loop3A_369 = %while3A_301, %parallel_loop3A_370 = %while3A_302, %parallel_loop3A_371 = %while3A_303, %parallel_loop3A_372 = %while3A_304, %parallel_loop3A_373 = %while3A_305, %parallel_loop3A_374 = %while3A_306, %parallel_loop3A_375 = %while3A_307, %parallel_loop3A_376 = %while3A_308, %parallel_loop3A_377 = %while3A_309, %parallel_loop3A_378 = %while3A_310) -> (vector<16xf32>, vector<16xf32>, vector<16xf32>, vector<16xf32>, vector<16xf32>, vector<16xf32>, vector<16xf32>, vector<16xf32>, vector<16xf32>, vector<16xf32>, vector<16xf32>, vector<16xf32>, vector<16xf32>, vector<16xf32>, vector<16xf32>, vector<16xf32>)  : i32 {
        %parallel_loop3A_379 = arith.index_cast %select_n3A_324 : i32 to index
        %parallel_loop3A_380 = arith.index_cast %parallel_loop3A_362 : i32 to index
        %parallel_loop3A_381 = arith.constant 0 : index
        %parallel_loop3A_382 = tpu.vector_load %arg6[%parallel_loop3A_379, %parallel_loop3A_380, %parallel_loop3A_381] {strides = array<i32>} : memref<5x48x256xf32, #tpu.memory_space<vmem>>, vector<1x1x16xf32>,
        %parallel_loop3A_383 = vector.shape_cast %parallel_loop3A_382 : vector<1x1x16xf32> to vector<16xf32>
        %parallel_loop3A_384 = arith.maximumf %parallel_loop3A_363, %parallel_loop3A_383 : vector<16xf32>
        %parallel_loop3A_385 = arith.index_cast %select_n3A_324 : i32 to index
        %parallel_loop3A_386 = arith.index_cast %parallel_loop3A_362 : i32 to index
        %parallel_loop3A_387 = arith.constant 16 : index
        %parallel_loop3A_388 = tpu.vector_load %arg6[%parallel_loop3A_385, %parallel_loop3A_386, %parallel_loop3A_387] {strides = array<i32>} : memref<5x48x256xf32, #tpu.memory_space<vmem>>, vector<1x1x16xf32>,
        %parallel_loop3A_389 = vector.shape_cast %parallel_loop3A_388 : vector<1x1x16xf32> to vector<16xf32>
        %parallel_loop3A_390 = arith.maximumf %parallel_loop3A_364, %parallel_loop3A_389 : vector<16xf32>
        %parallel_loop3A_391 = arith.index_cast %select_n3A_324 : i32 to index
        %parallel_loop3A_392 = arith.index_cast %parallel_loop3A_362 : i32 to index
        %parallel_loop3A_393 = arith.constant 32 : index
        %parallel_loop3A_394 = tpu.vector_load %arg6[%parallel_loop3A_391, %parallel_loop3A_392, %parallel_loop3A_393] {strides = array<i32>} : memref<5x48x256xf32, #tpu.memory_space<vmem>>, vector<1x1x16xf32>,
        %parallel_loop3A_395 = vector.shape_cast %parallel_loop3A_394 : vector<1x1x16xf32> to vector<16xf32>
        %parallel_loop3A_396 = arith.maximumf %parallel_loop3A_365, %parallel_loop3A_395 : vector<16xf32>
        %parallel_loop3A_397 = arith.index_cast %select_n3A_324 : i32 to index
        %parallel_loop3A_398 = arith.index_cast %parallel_loop3A_362 : i32 to index
        %parallel_loop3A_399 = arith.constant 48 : index
        %parallel_loop3A_400 = tpu.vector_load %arg6[%parallel_loop3A_397, %parallel_loop3A_398, %parallel_loop3A_399] {strides = array<i32>} : memref<5x48x256xf32, #tpu.memory_space<vmem>>, vector<1x1x16xf32>,
        %parallel_loop3A_401 = vector.shape_cast %parallel_loop3A_400 : vector<1x1x16xf32> to vector<16xf32>
        %parallel_loop3A_402 = arith.maximumf %parallel_loop3A_366, %parallel_loop3A_401 : vector<16xf32>
        %parallel_loop3A_403 = arith.index_cast %select_n3A_324 : i32 to index
        %parallel_loop3A_404 = arith.index_cast %parallel_loop3A_362 : i32 to index
        %parallel_loop3A_405 = arith.constant 64 : index
        %parallel_loop3A_406 = tpu.vector_load %arg6[%parallel_loop3A_403, %parallel_loop3A_404, %parallel_loop3A_405] {strides = array<i32>} : memref<5x48x256xf32, #tpu.memory_space<vmem>>, vector<1x1x16xf32>,
        %parallel_loop3A_407 = vector.shape_cast %parallel_loop3A_406 : vector<1x1x16xf32> to vector<16xf32>
        %parallel_loop3A_408 = arith.maximumf %parallel_loop3A_367, %parallel_loop3A_407 : vector<16xf32>
        %parallel_loop3A_409 = arith.index_cast %select_n3A_324 : i32 to index
        %parallel_loop3A_410 = arith.index_cast %parallel_loop3A_362 : i32 to index
        %parallel_loop3A_411 = arith.constant 80 : index
        %parallel_loop3A_412 = tpu.vector_load %arg6[%parallel_loop3A_409, %parallel_loop3A_410, %parallel_loop3A_411] {strides = array<i32>} : memref<5x48x256xf32, #tpu.memory_space<vmem>>, vector<1x1x16xf32>,
        %parallel_loop3A_413 = vector.shape_cast %parallel_loop3A_412 : vector<1x1x16xf32> to vector<16xf32>
        %parallel_loop3A_414 = arith.maximumf %parallel_loop3A_368, %parallel_loop3A_413 : vector<16xf32>
        %parallel_loop3A_415 = arith.index_cast %select_n3A_324 : i32 to index
        %parallel_loop3A_416 = arith.index_cast %parallel_loop3A_362 : i32 to index
        %parallel_loop3A_417 = arith.constant 96 : index
        %parallel_loop3A_418 = tpu.vector_load %arg6[%parallel_loop3A_415, %parallel_loop3A_416, %parallel_loop3A_417] {strides = array<i32>} : memref<5x48x256xf32, #tpu.memory_space<vmem>>, vector<1x1x16xf32>,
        %parallel_loop3A_419 = vector.shape_cast %parallel_loop3A_418 : vector<1x1x16xf32> to vector<16xf32>
        %parallel_loop3A_420 = arith.maximumf %parallel_loop3A_369, %parallel_loop3A_419 : vector<16xf32>
        %parallel_loop3A_421 = arith.index_cast %select_n3A_324 : i32 to index
        %parallel_loop3A_422 = arith.index_cast %parallel_loop3A_362 : i32 to index
        %parallel_loop3A_423 = arith.constant 112 : index
        %parallel_loop3A_424 = tpu.vector_load %arg6[%parallel_loop3A_421, %parallel_loop3A_422, %parallel_loop3A_423] {strides = array<i32>} : memref<5x48x256xf32, #tpu.memory_space<vmem>>, vector<1x1x16xf32>,
        %parallel_loop3A_425 = vector.shape_cast %parallel_loop3A_424 : vector<1x1x16xf32> to vector<16xf32>
        %parallel_loop3A_426 = arith.maximumf %parallel_loop3A_370, %parallel_loop3A_425 : vector<16xf32>
        %parallel_loop3A_427 = arith.index_cast %select_n3A_324 : i32 to index
        %parallel_loop3A_428 = arith.index_cast %parallel_loop3A_362 : i32 to index
        %parallel_loop3A_429 = arith.constant 128 : index
        %parallel_loop3A_430 = tpu.vector_load %arg6[%parallel_loop3A_427, %parallel_loop3A_428, %parallel_loop3A_429] {strides = array<i32>} : memref<5x48x256xf32, #tpu.memory_space<vmem>>, vector<1x1x16xf32>,
        %parallel_loop3A_431 = vector.shape_cast %parallel_loop3A_430 : vector<1x1x16xf32> to vector<16xf32>
        %parallel_loop3A_432 = arith.maximumf %parallel_loop3A_371, %parallel_loop3A_431 : vector<16xf32>
        %parallel_loop3A_433 = arith.index_cast %select_n3A_324 : i32 to index
        %parallel_loop3A_434 = arith.index_cast %parallel_loop3A_362 : i32 to index
        %parallel_loop3A_435 = arith.constant 144 : index
        %parallel_loop3A_436 = tpu.vector_load %arg6[%parallel_loop3A_433, %parallel_loop3A_434, %parallel_loop3A_435] {strides = array<i32>} : memref<5x48x256xf32, #tpu.memory_space<vmem>>, vector<1x1x16xf32>,
        %parallel_loop3A_437 = vector.shape_cast %parallel_loop3A_436 : vector<1x1x16xf32> to vector<16xf32>
        %parallel_loop3A_438 = arith.maximumf %parallel_loop3A_372, %parallel_loop3A_437 : vector<16xf32>
        %parallel_loop3A_439 = arith.index_cast %select_n3A_324 : i32 to index
        %parallel_loop3A_440 = arith.index_cast %parallel_loop3A_362 : i32 to index
        %parallel_loop3A_441 = arith.constant 160 : index
        %parallel_loop3A_442 = tpu.vector_load %arg6[%parallel_loop3A_439, %parallel_loop3A_440, %parallel_loop3A_441] {strides = array<i32>} : memref<5x48x256xf32, #tpu.memory_space<vmem>>, vector<1x1x16xf32>,
        %parallel_loop3A_443 = vector.shape_cast %parallel_loop3A_442 : vector<1x1x16xf32> to vector<16xf32>
        %parallel_loop3A_444 = arith.maximumf %parallel_loop3A_373, %parallel_loop3A_443 : vector<16xf32>
        %parallel_loop3A_445 = arith.index_cast %select_n3A_324 : i32 to index
        %parallel_loop3A_446 = arith.index_cast %parallel_loop3A_362 : i32 to index
        %parallel_loop3A_447 = arith.constant 176 : index
        %parallel_loop3A_448 = tpu.vector_load %arg6[%parallel_loop3A_445, %parallel_loop3A_446, %parallel_loop3A_447] {strides = array<i32>} : memref<5x48x256xf32, #tpu.memory_space<vmem>>, vector<1x1x16xf32>,
        %parallel_loop3A_449 = vector.shape_cast %parallel_loop3A_448 : vector<1x1x16xf32> to vector<16xf32>
        %parallel_loop3A_450 = arith.maximumf %parallel_loop3A_374, %parallel_loop3A_449 : vector<16xf32>
        %parallel_loop3A_451 = arith.index_cast %select_n3A_324 : i32 to index
        %parallel_loop3A_452 = arith.index_cast %parallel_loop3A_362 : i32 to index
        %parallel_loop3A_453 = arith.constant 192 : index
        %parallel_loop3A_454 = tpu.vector_load %arg6[%parallel_loop3A_451, %parallel_loop3A_452, %parallel_loop3A_453] {strides = array<i32>} : memref<5x48x256xf32, #tpu.memory_space<vmem>>, vector<1x1x16xf32>,
        %parallel_loop3A_455 = vector.shape_cast %parallel_loop3A_454 : vector<1x1x16xf32> to vector<16xf32>
        %parallel_loop3A_456 = arith.maximumf %parallel_loop3A_375, %parallel_loop3A_455 : vector<16xf32>
        %parallel_loop3A_457 = arith.index_cast %select_n3A_324 : i32 to index
        %parallel_loop3A_458 = arith.index_cast %parallel_loop3A_362 : i32 to index
        %parallel_loop3A_459 = arith.constant 208 : index
        %parallel_loop3A_460 = tpu.vector_load %arg6[%parallel_loop3A_457, %parallel_loop3A_458, %parallel_loop3A_459] {strides = array<i32>} : memref<5x48x256xf32, #tpu.memory_space<vmem>>, vector<1x1x16xf32>,
        %parallel_loop3A_461 = vector.shape_cast %parallel_loop3A_460 : vector<1x1x16xf32> to vector<16xf32>
        %parallel_loop3A_462 = arith.maximumf %parallel_loop3A_376, %parallel_loop3A_461 : vector<16xf32>
        %parallel_loop3A_463 = arith.index_cast %select_n3A_324 : i32 to index
        %parallel_loop3A_464 = arith.index_cast %parallel_loop3A_362 : i32 to index
        %parallel_loop3A_465 = arith.constant 224 : index
        %parallel_loop3A_466 = tpu.vector_load %arg6[%parallel_loop3A_463, %parallel_loop3A_464, %parallel_loop3A_465] {strides = array<i32>} : memref<5x48x256xf32, #tpu.memory_space<vmem>>, vector<1x1x16xf32>,
        %parallel_loop3A_467 = vector.shape_cast %parallel_loop3A_466 : vector<1x1x16xf32> to vector<16xf32>
        %parallel_loop3A_468 = arith.maximumf %parallel_loop3A_377, %parallel_loop3A_467 : vector<16xf32>
        %parallel_loop3A_469 = arith.index_cast %select_n3A_324 : i32 to index
        %parallel_loop3A_470 = arith.index_cast %parallel_loop3A_362 : i32 to index
        %parallel_loop3A_471 = arith.constant 240 : index
        %parallel_loop3A_472 = tpu.vector_load %arg6[%parallel_loop3A_469, %parallel_loop3A_470, %parallel_loop3A_471] {strides = array<i32>} : memref<5x48x256xf32, #tpu.memory_space<vmem>>, vector<1x1x16xf32>,
        %parallel_loop3A_473 = vector.shape_cast %parallel_loop3A_472 : vector<1x1x16xf32> to vector<16xf32>
        %parallel_loop3A_474 = arith.maximumf %parallel_loop3A_378, %parallel_loop3A_473 : vector<16xf32>
        scf.yield %parallel_loop3A_384, %parallel_loop3A_390, %parallel_loop3A_396, %parallel_loop3A_402, %parallel_loop3A_408, %parallel_loop3A_414, %parallel_loop3A_420, %parallel_loop3A_426, %parallel_loop3A_432, %parallel_loop3A_438, %parallel_loop3A_444, %parallel_loop3A_450, %parallel_loop3A_456, %parallel_loop3A_462, %parallel_loop3A_468, %parallel_loop3A_474 : vector<16xf32>, vector<16xf32>, vector<16xf32>, vector<16xf32>, vector<16xf32>, vector<16xf32>, vector<16xf32>, vector<16xf32>, vector<16xf32>, vector<16xf32>, vector<16xf32>, vector<16xf32>, vector<16xf32>, vector<16xf32>, vector<16xf32>, vector<16xf32>
      } {sc.loop_unroll_factor = 2 : i64, sc.parallel_access}
      scf.yield %parallel_loop3A_359#0, %parallel_loop3A_359#1, %parallel_loop3A_359#2, %parallel_loop3A_359#3, %parallel_loop3A_359#4, %parallel_loop3A_359#5, %parallel_loop3A_359#6, %parallel_loop3A_359#7, %parallel_loop3A_359#8, %parallel_loop3A_359#9, %parallel_loop3A_359#10, %parallel_loop3A_359#11, %parallel_loop3A_359#12, %parallel_loop3A_359#13, %parallel_loop3A_359#14, %parallel_loop3A_359#15, %parallel_loop3A_361#0, %parallel_loop3A_361#1, %parallel_loop3A_361#2, %parallel_loop3A_361#3, %parallel_loop3A_361#4, %parallel_loop3A_361#5, %parallel_loop3A_361#6, %parallel_loop3A_361#7, %parallel_loop3A_361#8, %parallel_loop3A_361#9, %parallel_loop3A_361#10, %parallel_loop3A_361#11, %parallel_loop3A_361#12, %parallel_loop3A_361#13, %parallel_loop3A_361#14, %parallel_loop3A_361#15 : vector<16xf32>, vector<16xf32>, vector<16xf32>, vector<16xf32>, vector<16xf32>, vector<16xf32>, vector<16xf32>, vector<16xf32>, vector<16xf32>, vector<16xf32>, vector<16xf32>, vector<16xf32>, vector<16xf32>, vector<16xf32>, vector<16xf32>, vector<16xf32>, vector<16xf32>, vector<16xf32>, vector<16xf32>, vector<16xf32>, vector<16xf32>, vector<16xf32>, vector<16xf32>, vector<16xf32>, vector<16xf32>, vector<16xf32>, vector<16xf32>, vector<16xf32>, vector<16xf32>, vector<16xf32>, vector<16xf32>, vector<16xf32>
    }
    %swap3A = arith.constant 0 : i32
    %swap3A_85 = arith.index_cast %swap3A : i32 to index
    %swap3A_86 = arith.constant 0 : index
    %swap3A_87 = tpu.vector_load %arg7[%swap3A_85, %swap3A_86] {strides = array<i32>} : memref<2x256xf32, #tpu.memory_space<vmem>>, vector<1x16xf32>,
    %swap3A_88 = vector.shape_cast %swap3A_87 : vector<1x16xf32> to vector<16xf32>
    %swap3A_89 = vector.shape_cast %while3A_84#0 : vector<16xf32> to vector<1x16xf32>
    tpu.vector_store %arg7[%swap3A_85, %swap3A_86], %swap3A_89 {strides = array<i32>} : memref<2x256xf32, #tpu.memory_space<vmem>>, vector<1x16xf32>,
    %swap3A_90 = arith.constant 1 : i32
    %swap3A_91 = arith.index_cast %swap3A_90 : i32 to index
    %swap3A_92 = arith.constant 0 : index
    %swap3A_93 = tpu.vector_load %arg7[%swap3A_91, %swap3A_92] {strides = array<i32>} : memref<2x256xf32, #tpu.memory_space<vmem>>, vector<1x16xf32>,
    %swap3A_94 = vector.shape_cast %swap3A_93 : vector<1x16xf32> to vector<16xf32>
    %swap3A_95 = vector.shape_cast %while3A_84#16 : vector<16xf32> to vector<1x16xf32>
    tpu.vector_store %arg7[%swap3A_91, %swap3A_92], %swap3A_95 {strides = array<i32>} : memref<2x256xf32, #tpu.memory_space<vmem>>, vector<1x16xf32>,
    %swap3A_96 = arith.constant 0 : i32
    %swap3A_97 = arith.index_cast %swap3A_96 : i32 to index
    %swap3A_98 = arith.constant 16 : index
    %swap3A_99 = tpu.vector_load %arg7[%swap3A_97, %swap3A_98] {strides = array<i32>} : memref<2x256xf32, #tpu.memory_space<vmem>>, vector<1x16xf32>,
    %swap3A_100 = vector.shape_cast %swap3A_99 : vector<1x16xf32> to vector<16xf32>
    %swap3A_101 = vector.shape_cast %while3A_84#1 : vector<16xf32> to vector<1x16xf32>
    tpu.vector_store %arg7[%swap3A_97, %swap3A_98], %swap3A_101 {strides = array<i32>} : memref<2x256xf32, #tpu.memory_space<vmem>>, vector<1x16xf32>,
    %swap3A_102 = arith.constant 1 : i32
    %swap3A_103 = arith.index_cast %swap3A_102 : i32 to index
    %swap3A_104 = arith.constant 16 : index
    %swap3A_105 = tpu.vector_load %arg7[%swap3A_103, %swap3A_104] {strides = array<i32>} : memref<2x256xf32, #tpu.memory_space<vmem>>, vector<1x16xf32>,
    %swap3A_106 = vector.shape_cast %swap3A_105 : vector<1x16xf32> to vector<16xf32>
    %swap3A_107 = vector.shape_cast %while3A_84#17 : vector<16xf32> to vector<1x16xf32>
    tpu.vector_store %arg7[%swap3A_103, %swap3A_104], %swap3A_107 {strides = array<i32>} : memref<2x256xf32, #tpu.memory_space<vmem>>, vector<1x16xf32>,
    %swap3A_108 = arith.constant 0 : i32
    %swap3A_109 = arith.index_cast %swap3A_108 : i32 to index
    %swap3A_110 = arith.constant 32 : index
    %swap3A_111 = tpu.vector_load %arg7[%swap3A_109, %swap3A_110] {strides = array<i32>} : memref<2x256xf32, #tpu.memory_space<vmem>>, vector<1x16xf32>,
    %swap3A_112 = vector.shape_cast %swap3A_111 : vector<1x16xf32> to vector<16xf32>
    %swap3A_113 = vector.shape_cast %while3A_84#2 : vector<16xf32> to vector<1x16xf32>
    tpu.vector_store %arg7[%swap3A_109, %swap3A_110], %swap3A_113 {strides = array<i32>} : memref<2x256xf32, #tpu.memory_space<vmem>>, vector<1x16xf32>,
    %swap3A_114 = arith.constant 1 : i32
    %swap3A_115 = arith.index_cast %swap3A_114 : i32 to index
    %swap3A_116 = arith.constant 32 : index
    %swap3A_117 = tpu.vector_load %arg7[%swap3A_115, %swap3A_116] {strides = array<i32>} : memref<2x256xf32, #tpu.memory_space<vmem>>, vector<1x16xf32>,
    %swap3A_118 = vector.shape_cast %swap3A_117 : vector<1x16xf32> to vector<16xf32>
    %swap3A_119 = vector.shape_cast %while3A_84#18 : vector<16xf32> to vector<1x16xf32>
    tpu.vector_store %arg7[%swap3A_115, %swap3A_116], %swap3A_119 {strides = array<i32>} : memref<2x256xf32, #tpu.memory_space<vmem>>, vector<1x16xf32>,
    %swap3A_120 = arith.constant 0 : i32
    %swap3A_121 = arith.index_cast %swap3A_120 : i32 to index
    %swap3A_122 = arith.constant 48 : index
    %swap3A_123 = tpu.vector_load %arg7[%swap3A_121, %swap3A_122] {strides = array<i32>} : memref<2x256xf32, #tpu.memory_space<vmem>>, vector<1x16xf32>,
    %swap3A_124 = vector.shape_cast %swap3A_123 : vector<1x16xf32> to vector<16xf32>
    %swap3A_125 = vector.shape_cast %while3A_84#3 : vector<16xf32> to vector<1x16xf32>
    tpu.vector_store %arg7[%swap3A_121, %swap3A_122], %swap3A_125 {strides = array<i32>} : memref<2x256xf32, #tpu.memory_space<vmem>>, vector<1x16xf32>,
    %swap3A_126 = arith.constant 1 : i32
    %swap3A_127 = arith.index_cast %swap3A_126 : i32 to index
    %swap3A_128 = arith.constant 48 : index
    %swap3A_129 = tpu.vector_load %arg7[%swap3A_127, %swap3A_128] {strides = array<i32>} : memref<2x256xf32, #tpu.memory_space<vmem>>, vector<1x16xf32>,
    %swap3A_130 = vector.shape_cast %swap3A_129 : vector<1x16xf32> to vector<16xf32>
    %swap3A_131 = vector.shape_cast %while3A_84#19 : vector<16xf32> to vector<1x16xf32>
    tpu.vector_store %arg7[%swap3A_127, %swap3A_128], %swap3A_131 {strides = array<i32>} : memref<2x256xf32, #tpu.memory_space<vmem>>, vector<1x16xf32>,
    %swap3A_132 = arith.constant 0 : i32
    %swap3A_133 = arith.index_cast %swap3A_132 : i32 to index
    %swap3A_134 = arith.constant 64 : index
    %swap3A_135 = tpu.vector_load %arg7[%swap3A_133, %swap3A_134] {strides = array<i32>} : memref<2x256xf32, #tpu.memory_space<vmem>>, vector<1x16xf32>,
    %swap3A_136 = vector.shape_cast %swap3A_135 : vector<1x16xf32> to vector<16xf32>
    %swap3A_137 = vector.shape_cast %while3A_84#4 : vector<16xf32> to vector<1x16xf32>
    tpu.vector_store %arg7[%swap3A_133, %swap3A_134], %swap3A_137 {strides = array<i32>} : memref<2x256xf32, #tpu.memory_space<vmem>>, vector<1x16xf32>,
    %swap3A_138 = arith.constant 1 : i32
    %swap3A_139 = arith.index_cast %swap3A_138 : i32 to index
    %swap3A_140 = arith.constant 64 : index
    %swap3A_141 = tpu.vector_load %arg7[%swap3A_139, %swap3A_140] {strides = array<i32>} : memref<2x256xf32, #tpu.memory_space<vmem>>, vector<1x16xf32>,
    %swap3A_142 = vector.shape_cast %swap3A_141 : vector<1x16xf32> to vector<16xf32>
    %swap3A_143 = vector.shape_cast %while3A_84#20 : vector<16xf32> to vector<1x16xf32>
    tpu.vector_store %arg7[%swap3A_139, %swap3A_140], %swap3A_143 {strides = array<i32>} : memref<2x256xf32, #tpu.memory_space<vmem>>, vector<1x16xf32>,
    %swap3A_144 = arith.constant 0 : i32
    %swap3A_145 = arith.index_cast %swap3A_144 : i32 to index
    %swap3A_146 = arith.constant 80 : index
    %swap3A_147 = tpu.vector_load %arg7[%swap3A_145, %swap3A_146] {strides = array<i32>} : memref<2x256xf32, #tpu.memory_space<vmem>>, vector<1x16xf32>,
    %swap3A_148 = vector.shape_cast %swap3A_147 : vector<1x16xf32> to vector<16xf32>
    %swap3A_149 = vector.shape_cast %while3A_84#5 : vector<16xf32> to vector<1x16xf32>
    tpu.vector_store %arg7[%swap3A_145, %swap3A_146], %swap3A_149 {strides = array<i32>} : memref<2x256xf32, #tpu.memory_space<vmem>>, vector<1x16xf32>,
    %swap3A_150 = arith.constant 1 : i32
    %swap3A_151 = arith.index_cast %swap3A_150 : i32 to index
    %swap3A_152 = arith.constant 80 : index
    %swap3A_153 = tpu.vector_load %arg7[%swap3A_151, %swap3A_152] {strides = array<i32>} : memref<2x256xf32, #tpu.memory_space<vmem>>, vector<1x16xf32>,
    %swap3A_154 = vector.shape_cast %swap3A_153 : vector<1x16xf32> to vector<16xf32>
    %swap3A_155 = vector.shape_cast %while3A_84#21 : vector<16xf32> to vector<1x16xf32>
    tpu.vector_store %arg7[%swap3A_151, %swap3A_152], %swap3A_155 {strides = array<i32>} : memref<2x256xf32, #tpu.memory_space<vmem>>, vector<1x16xf32>,
    %swap3A_156 = arith.constant 0 : i32
    %swap3A_157 = arith.index_cast %swap3A_156 : i32 to index
    %swap3A_158 = arith.constant 96 : index
    %swap3A_159 = tpu.vector_load %arg7[%swap3A_157, %swap3A_158] {strides = array<i32>} : memref<2x256xf32, #tpu.memory_space<vmem>>, vector<1x16xf32>,
    %swap3A_160 = vector.shape_cast %swap3A_159 : vector<1x16xf32> to vector<16xf32>
    %swap3A_161 = vector.shape_cast %while3A_84#6 : vector<16xf32> to vector<1x16xf32>
    tpu.vector_store %arg7[%swap3A_157, %swap3A_158], %swap3A_161 {strides = array<i32>} : memref<2x256xf32, #tpu.memory_space<vmem>>, vector<1x16xf32>,
    %swap3A_162 = arith.constant 1 : i32
    %swap3A_163 = arith.index_cast %swap3A_162 : i32 to index
    %swap3A_164 = arith.constant 96 : index
    %swap3A_165 = tpu.vector_load %arg7[%swap3A_163, %swap3A_164] {strides = array<i32>} : memref<2x256xf32, #tpu.memory_space<vmem>>, vector<1x16xf32>,
    %swap3A_166 = vector.shape_cast %swap3A_165 : vector<1x16xf32> to vector<16xf32>
    %swap3A_167 = vector.shape_cast %while3A_84#22 : vector<16xf32> to vector<1x16xf32>
    tpu.vector_store %arg7[%swap3A_163, %swap3A_164], %swap3A_167 {strides = array<i32>} : memref<2x256xf32, #tpu.memory_space<vmem>>, vector<1x16xf32>,
    %swap3A_168 = arith.constant 0 : i32
    %swap3A_169 = arith.index_cast %swap3A_168 : i32 to index
    %swap3A_170 = arith.constant 112 : index
    %swap3A_171 = tpu.vector_load %arg7[%swap3A_169, %swap3A_170] {strides = array<i32>} : memref<2x256xf32, #tpu.memory_space<vmem>>, vector<1x16xf32>,
    %swap3A_172 = vector.shape_cast %swap3A_171 : vector<1x16xf32> to vector<16xf32>
    %swap3A_173 = vector.shape_cast %while3A_84#7 : vector<16xf32> to vector<1x16xf32>
    tpu.vector_store %arg7[%swap3A_169, %swap3A_170], %swap3A_173 {strides = array<i32>} : memref<2x256xf32, #tpu.memory_space<vmem>>, vector<1x16xf32>,
    %swap3A_174 = arith.constant 1 : i32
    %swap3A_175 = arith.index_cast %swap3A_174 : i32 to index
    %swap3A_176 = arith.constant 112 : index
    %swap3A_177 = tpu.vector_load %arg7[%swap3A_175, %swap3A_176] {strides = array<i32>} : memref<2x256xf32, #tpu.memory_space<vmem>>, vector<1x16xf32>,
    %swap3A_178 = vector.shape_cast %swap3A_177 : vector<1x16xf32> to vector<16xf32>
    %swap3A_179 = vector.shape_cast %while3A_84#23 : vector<16xf32> to vector<1x16xf32>
    tpu.vector_store %arg7[%swap3A_175, %swap3A_176], %swap3A_179 {strides = array<i32>} : memref<2x256xf32, #tpu.memory_space<vmem>>, vector<1x16xf32>,
    %swap3A_180 = arith.constant 0 : i32
    %swap3A_181 = arith.index_cast %swap3A_180 : i32 to index
    %swap3A_182 = arith.constant 128 : index
    %swap3A_183 = tpu.vector_load %arg7[%swap3A_181, %swap3A_182] {strides = array<i32>} : memref<2x256xf32, #tpu.memory_space<vmem>>, vector<1x16xf32>,
    %swap3A_184 = vector.shape_cast %swap3A_183 : vector<1x16xf32> to vector<16xf32>
    %swap3A_185 = vector.shape_cast %while3A_84#8 : vector<16xf32> to vector<1x16xf32>
    tpu.vector_store %arg7[%swap3A_181, %swap3A_182], %swap3A_185 {strides = array<i32>} : memref<2x256xf32, #tpu.memory_space<vmem>>, vector<1x16xf32>,
    %swap3A_186 = arith.constant 1 : i32
    %swap3A_187 = arith.index_cast %swap3A_186 : i32 to index
    %swap3A_188 = arith.constant 128 : index
    %swap3A_189 = tpu.vector_load %arg7[%swap3A_187, %swap3A_188] {strides = array<i32>} : memref<2x256xf32, #tpu.memory_space<vmem>>, vector<1x16xf32>,
    %swap3A_190 = vector.shape_cast %swap3A_189 : vector<1x16xf32> to vector<16xf32>
    %swap3A_191 = vector.shape_cast %while3A_84#24 : vector<16xf32> to vector<1x16xf32>
    tpu.vector_store %arg7[%swap3A_187, %swap3A_188], %swap3A_191 {strides = array<i32>} : memref<2x256xf32, #tpu.memory_space<vmem>>, vector<1x16xf32>,
    %swap3A_192 = arith.constant 0 : i32
    %swap3A_193 = arith.index_cast %swap3A_192 : i32 to index
    %swap3A_194 = arith.constant 144 : index
    %swap3A_195 = tpu.vector_load %arg7[%swap3A_193, %swap3A_194] {strides = array<i32>} : memref<2x256xf32, #tpu.memory_space<vmem>>, vector<1x16xf32>,
    %swap3A_196 = vector.shape_cast %swap3A_195 : vector<1x16xf32> to vector<16xf32>
    %swap3A_197 = vector.shape_cast %while3A_84#9 : vector<16xf32> to vector<1x16xf32>
    tpu.vector_store %arg7[%swap3A_193, %swap3A_194], %swap3A_197 {strides = array<i32>} : memref<2x256xf32, #tpu.memory_space<vmem>>, vector<1x16xf32>,
    %swap3A_198 = arith.constant 1 : i32
    %swap3A_199 = arith.index_cast %swap3A_198 : i32 to index
    %swap3A_200 = arith.constant 144 : index
    %swap3A_201 = tpu.vector_load %arg7[%swap3A_199, %swap3A_200] {strides = array<i32>} : memref<2x256xf32, #tpu.memory_space<vmem>>, vector<1x16xf32>,
    %swap3A_202 = vector.shape_cast %swap3A_201 : vector<1x16xf32> to vector<16xf32>
    %swap3A_203 = vector.shape_cast %while3A_84#25 : vector<16xf32> to vector<1x16xf32>
    tpu.vector_store %arg7[%swap3A_199, %swap3A_200], %swap3A_203 {strides = array<i32>} : memref<2x256xf32, #tpu.memory_space<vmem>>, vector<1x16xf32>,
    %swap3A_204 = arith.constant 0 : i32
    %swap3A_205 = arith.index_cast %swap3A_204 : i32 to index
    %swap3A_206 = arith.constant 160 : index
    %swap3A_207 = tpu.vector_load %arg7[%swap3A_205, %swap3A_206] {strides = array<i32>} : memref<2x256xf32, #tpu.memory_space<vmem>>, vector<1x16xf32>,
    %swap3A_208 = vector.shape_cast %swap3A_207 : vector<1x16xf32> to vector<16xf32>
    %swap3A_209 = vector.shape_cast %while3A_84#10 : vector<16xf32> to vector<1x16xf32>
    tpu.vector_store %arg7[%swap3A_205, %swap3A_206], %swap3A_209 {strides = array<i32>} : memref<2x256xf32, #tpu.memory_space<vmem>>, vector<1x16xf32>,
    %swap3A_210 = arith.constant 1 : i32
    %swap3A_211 = arith.index_cast %swap3A_210 : i32 to index
    %swap3A_212 = arith.constant 160 : index
    %swap3A_213 = tpu.vector_load %arg7[%swap3A_211, %swap3A_212] {strides = array<i32>} : memref<2x256xf32, #tpu.memory_space<vmem>>, vector<1x16xf32>,
    %swap3A_214 = vector.shape_cast %swap3A_213 : vector<1x16xf32> to vector<16xf32>
    %swap3A_215 = vector.shape_cast %while3A_84#26 : vector<16xf32> to vector<1x16xf32>
    tpu.vector_store %arg7[%swap3A_211, %swap3A_212], %swap3A_215 {strides = array<i32>} : memref<2x256xf32, #tpu.memory_space<vmem>>, vector<1x16xf32>,
    %swap3A_216 = arith.constant 0 : i32
    %swap3A_217 = arith.index_cast %swap3A_216 : i32 to index
    %swap3A_218 = arith.constant 176 : index
    %swap3A_219 = tpu.vector_load %arg7[%swap3A_217, %swap3A_218] {strides = array<i32>} : memref<2x256xf32, #tpu.memory_space<vmem>>, vector<1x16xf32>,
    %swap3A_220 = vector.shape_cast %swap3A_219 : vector<1x16xf32> to vector<16xf32>
    %swap3A_221 = vector.shape_cast %while3A_84#11 : vector<16xf32> to vector<1x16xf32>
    tpu.vector_store %arg7[%swap3A_217, %swap3A_218], %swap3A_221 {strides = array<i32>} : memref<2x256xf32, #tpu.memory_space<vmem>>, vector<1x16xf32>,
    %swap3A_222 = arith.constant 1 : i32
    %swap3A_223 = arith.index_cast %swap3A_222 : i32 to index
    %swap3A_224 = arith.constant 176 : index
    %swap3A_225 = tpu.vector_load %arg7[%swap3A_223, %swap3A_224] {strides = array<i32>} : memref<2x256xf32, #tpu.memory_space<vmem>>, vector<1x16xf32>,
    %swap3A_226 = vector.shape_cast %swap3A_225 : vector<1x16xf32> to vector<16xf32>
    %swap3A_227 = vector.shape_cast %while3A_84#27 : vector<16xf32> to vector<1x16xf32>
    tpu.vector_store %arg7[%swap3A_223, %swap3A_224], %swap3A_227 {strides = array<i32>} : memref<2x256xf32, #tpu.memory_space<vmem>>, vector<1x16xf32>,
    %swap3A_228 = arith.constant 0 : i32
    %swap3A_229 = arith.index_cast %swap3A_228 : i32 to index
    %swap3A_230 = arith.constant 192 : index
    %swap3A_231 = tpu.vector_load %arg7[%swap3A_229, %swap3A_230] {strides = array<i32>} : memref<2x256xf32, #tpu.memory_space<vmem>>, vector<1x16xf32>,
    %swap3A_232 = vector.shape_cast %swap3A_231 : vector<1x16xf32> to vector<16xf32>
    %swap3A_233 = vector.shape_cast %while3A_84#12 : vector<16xf32> to vector<1x16xf32>
    tpu.vector_store %arg7[%swap3A_229, %swap3A_230], %swap3A_233 {strides = array<i32>} : memref<2x256xf32, #tpu.memory_space<vmem>>, vector<1x16xf32>,
    %swap3A_234 = arith.constant 1 : i32
    %swap3A_235 = arith.index_cast %swap3A_234 : i32 to index
    %swap3A_236 = arith.constant 192 : index
    %swap3A_237 = tpu.vector_load %arg7[%swap3A_235, %swap3A_236] {strides = array<i32>} : memref<2x256xf32, #tpu.memory_space<vmem>>, vector<1x16xf32>,
    %swap3A_238 = vector.shape_cast %swap3A_237 : vector<1x16xf32> to vector<16xf32>
    %swap3A_239 = vector.shape_cast %while3A_84#28 : vector<16xf32> to vector<1x16xf32>
    tpu.vector_store %arg7[%swap3A_235, %swap3A_236], %swap3A_239 {strides = array<i32>} : memref<2x256xf32, #tpu.memory_space<vmem>>, vector<1x16xf32>,
    %swap3A_240 = arith.constant 0 : i32
    %swap3A_241 = arith.index_cast %swap3A_240 : i32 to index
    %swap3A_242 = arith.constant 208 : index
    %swap3A_243 = tpu.vector_load %arg7[%swap3A_241, %swap3A_242] {strides = array<i32>} : memref<2x256xf32, #tpu.memory_space<vmem>>, vector<1x16xf32>,
    %swap3A_244 = vector.shape_cast %swap3A_243 : vector<1x16xf32> to vector<16xf32>
    %swap3A_245 = vector.shape_cast %while3A_84#13 : vector<16xf32> to vector<1x16xf32>
    tpu.vector_store %arg7[%swap3A_241, %swap3A_242], %swap3A_245 {strides = array<i32>} : memref<2x256xf32, #tpu.memory_space<vmem>>, vector<1x16xf32>,
    %swap3A_246 = arith.constant 1 : i32
    %swap3A_247 = arith.index_cast %swap3A_246 : i32 to index
    %swap3A_248 = arith.constant 208 : index
    %swap3A_249 = tpu.vector_load %arg7[%swap3A_247, %swap3A_248] {strides = array<i32>} : memref<2x256xf32, #tpu.memory_space<vmem>>, vector<1x16xf32>,
    %swap3A_250 = vector.shape_cast %swap3A_249 : vector<1x16xf32> to vector<16xf32>
    %swap3A_251 = vector.shape_cast %while3A_84#29 : vector<16xf32> to vector<1x16xf32>
    tpu.vector_store %arg7[%swap3A_247, %swap3A_248], %swap3A_251 {strides = array<i32>} : memref<2x256xf32, #tpu.memory_space<vmem>>, vector<1x16xf32>,
    %swap3A_252 = arith.constant 0 : i32
    %swap3A_253 = arith.index_cast %swap3A_252 : i32 to index
    %swap3A_254 = arith.constant 224 : index
    %swap3A_255 = tpu.vector_load %arg7[%swap3A_253, %swap3A_254] {strides = array<i32>} : memref<2x256xf32, #tpu.memory_space<vmem>>, vector<1x16xf32>,
    %swap3A_256 = vector.shape_cast %swap3A_255 : vector<1x16xf32> to vector<16xf32>
    %swap3A_257 = vector.shape_cast %while3A_84#14 : vector<16xf32> to vector<1x16xf32>
    tpu.vector_store %arg7[%swap3A_253, %swap3A_254], %swap3A_257 {strides = array<i32>} : memref<2x256xf32, #tpu.memory_space<vmem>>, vector<1x16xf32>,
    %swap3A_258 = arith.constant 1 : i32
    %swap3A_259 = arith.index_cast %swap3A_258 : i32 to index
    %swap3A_260 = arith.constant 224 : index
    %swap3A_261 = tpu.vector_load %arg7[%swap3A_259, %swap3A_260] {strides = array<i32>} : memref<2x256xf32, #tpu.memory_space<vmem>>, vector<1x16xf32>,
    %swap3A_262 = vector.shape_cast %swap3A_261 : vector<1x16xf32> to vector<16xf32>
    %swap3A_263 = vector.shape_cast %while3A_84#30 : vector<16xf32> to vector<1x16xf32>
    tpu.vector_store %arg7[%swap3A_259, %swap3A_260], %swap3A_263 {strides = array<i32>} : memref<2x256xf32, #tpu.memory_space<vmem>>, vector<1x16xf32>,
    %swap3A_264 = arith.constant 0 : i32
    %swap3A_265 = arith.index_cast %swap3A_264 : i32 to index
    %swap3A_266 = arith.constant 240 : index
    %swap3A_267 = tpu.vector_load %arg7[%swap3A_265, %swap3A_266] {strides = array<i32>} : memref<2x256xf32, #tpu.memory_space<vmem>>, vector<1x16xf32>,
    %swap3A_268 = vector.shape_cast %swap3A_267 : vector<1x16xf32> to vector<16xf32>
    %swap3A_269 = vector.shape_cast %while3A_84#15 : vector<16xf32> to vector<1x16xf32>
    tpu.vector_store %arg7[%swap3A_265, %swap3A_266], %swap3A_269 {strides = array<i32>} : memref<2x256xf32, #tpu.memory_space<vmem>>, vector<1x16xf32>,
    %swap3A_270 = arith.constant 1 : i32
    %swap3A_271 = arith.index_cast %swap3A_270 : i32 to index
    %swap3A_272 = arith.constant 240 : index
    %swap3A_273 = tpu.vector_load %arg7[%swap3A_271, %swap3A_272] {strides = array<i32>} : memref<2x256xf32, #tpu.memory_space<vmem>>, vector<1x16xf32>,
    %swap3A_274 = vector.shape_cast %swap3A_273 : vector<1x16xf32> to vector<16xf32>
    %swap3A_275 = vector.shape_cast %while3A_84#31 : vector<16xf32> to vector<1x16xf32>
    tpu.vector_store %arg7[%swap3A_271, %swap3A_272], %swap3A_275 {strides = array<i32>} : memref<2x256xf32, #tpu.memory_space<vmem>>, vector<1x16xf32>,
    %mul3A_276 = arith.constant 2 : i32
    %mul3A_277 = arith.muli %mul3A_276, %add3A : i32
    "tpu.region"() ({
      %run_scoped3A = tpu.sem_alloc : memref<!tpu.dma_semaphore, #tpu.memory_space<semaphore_mem>>
      %dma_start3A = arith.constant 0 : i32
      %dma_start3A_278 = tpu.memref_slice %arg4[%mul3A_277, %dma_start3A] : memref<64x256xf32, #tpu.memory_space<hbm>> -> memref<2x256xf32, #tpu.memory_space<hbm>>
      %dma_start3A_279 = arith.constant 0 : i32
      %dma_start3A_280 = tpu.memref_slice %arg4[%mul3A_277, %dma_start3A_279] : memref<64x256xf32, #tpu.memory_space<hbm>> -> memref<2x256xf32, #tpu.memory_space<hbm>>
      tpu.enqueue_dma source(%arg7 : memref<2x256xf32, #tpu.memory_space<vmem>>) target(%dma_start3A_280 : memref<2x256xf32, #tpu.memory_space<hbm>>) target_semaphore(%run_scoped3A : memref<!tpu.dma_semaphore, #tpu.memory_space<semaphore_mem>>)
      %dma_wait3A = arith.constant 0 : i32
      %dma_wait3A_281 = tpu.memref_slice %arg4[%mul3A_277, %dma_wait3A] : memref<64x256xf32, #tpu.memory_space<hbm>> -> memref<2x256xf32, #tpu.memory_space<hbm>>
      %dma_wait3A_282 = arith.constant 0 : i32
      %dma_wait3A_283 = tpu.memref_slice %arg4[%mul3A_277, %dma_wait3A_282] : memref<64x256xf32, #tpu.memory_space<hbm>> -> memref<2x256xf32, #tpu.memory_space<hbm>>
      tpu.wait_dma2 semaphore(%run_scoped3A : memref<!tpu.dma_semaphore, #tpu.memory_space<semaphore_mem>>) src(%arg7 : memref<2x256xf32, #tpu.memory_space<vmem>>) dst(%dma_wait3A_283 : memref<2x256xf32, #tpu.memory_space<hbm>>)
      tpu.yield
    }) : () -> ()
    return
  }
}

</mosaic_0001>

<sc_bundles>
// kernel: kernel.3.cloned.1.call-start
scs
__scs_entry_jumppad:
0x0: {  	(pc) =	sbr.rel $0x88, $3  }
0x1: {  	(tag) =	ssettag $0x0;
	lr =	simm.s32 $0x1  }
0x2: {  	[smem:$0x3F9F] =	sst lr;
	_ =	strace $0xD0000000  }
0x3: {  	_ = 	snop  }
0x4: {  	_ = 	snop  }
0x5: {  	_ = 	snop  }
0x6: {  	_ = 	snop  }
0x7: {  	_ = 	snop  }
__scs_overlays_trampoline_lowered:
0x8: {  	[smem:$0x3FAE] =	sst s0  }
0x9: {  	[smem:$0x3FAF] =	sst s1  }
0xa: {  	[smem:$0x3FB0] =	sst s2  }
0xb: {  	[smem:$0x3FB1] =	sst s3  }
0xc: {  	[smem:$0x3FB2] =	sst s4  }
0xd: {  	[smem:$0x3FB3] =	sst s5  }
0xe: {  	[smem:$0x3FB4] =	sst s6  }
0xf: {  	[smem:$0x3FB5] =	sst s7  }
0x10: {  	[smem:$0x3FB6] =	sst s8  }
0x11: {  	[smem:$0x3FB7] =	sst s9;
	s0 =	simm.s32 @!p0 $0x0  }
0x12: {  	s1 =	sld [smem:$0x3F9D];
	s0 =	simm.s32 @p0 $0x1  }
0x13: {  	[smem:$0x3FB8] =	sst s0;
	s0 =	simm.s32 @!p1 $0x0  }
0x14: {  	s2 =	sld [smem:$0x3F9C];
	s0 =	simm.s32 @p1 $0x1  }
0x15: {  	[smem:$0x3FB9] =	sst s0;
	s0 =	simm.s32 @!p2 $0x0  }
0x16: {  	s3 =	sld [smem:$0x3FDB];
	s0 =	simm.s32 @p2 $0x1  }
0x17: {  	s4 =	simm.s32 $0x1BF5;
	[smem:$0x3FBB] =	sst s0  }
0x18: {  	s0 =	sld [smem:$0x3F9E];
	_ =	swait.ge [sflag:s4], $0x0  }
0x19: {  	s7 =	sld [smem:$0x3F9F]  }
0x1a: {  	s8 =	sadd.s32 $0xFFFFE003, lr  }
0x1b: {  	s9 =	sadd.s32 $0xFFFFFEF7, lr;
	s5 =	simm.s32 $0xFFFFFFFF;
	p2 =	slt.u32 s8, $0xFFFFF086  }
0x1c: {  	p1 =	slt.u32 s9, $0xF7A;
	s5 =	simm.s32 @!p2 $0x0  }
0x1d: {  	s5 =	simm.s32 @p1 $0x1;
	p0 =	seq.s32 s7, s2  }
0x1e: {  	s7 =	smul.u32 @!p0 $0xF7A, s2;
	p2 =	seq.s32 @!p0 s5, $0x0  }
0x1f: {  	s9 =	smul.u32 $0xF7A, s1;
	s8 =	simm.s32 @!p0 $0x1BF5;
	p2 =	por !p2, p0  }
0x20: {  	[sflag:s8] =	ssyncset.s32 @!p0 $0xFFFFF086;
	s6 =	sadd.s32 @!p0 s3, s7;
	s7 =	simm.s32 @!p0 $0x108  }
0x21: {  	s3 =	sadd.s32 s3, s9;
	s6 =	sadd.s32 @!p0 $0x88, s6;
	s7 =	simm.s32 @p2 $0x1082  }
0x22: {  	[simem:s7], [sflag:s8] =	dma.local @!p0 [hbm:s6], $0xF7A  }
0x23: {  	s9 =	sor.u32 $0xD0000000, s2;
	s6 =	simm.s32 $0x108;
	_ =	swait.ge @!p0 [sflag:s8], $0x0  }
0x24: {  	s3 =	sadd.s32 $0x88, s3;
	s6 =	simm.s32 @!p1 $0x1082;
	[sflag:s4] =	ssyncset.s32 $0xFFFFF086  }
0x25: {  	[simem:s6], [sflag:s4] =	dma.local [hbm:s3], $0xF7A  }
0x26: {  	[smem:$0x3F9F] =	sst s1;
	(tag) =	ssettag s2;
	_ =	strace s9  }
0x27: {  	s1 =	sld [smem:$0x3FAF]  }
0x28: {  	s2 =	sld [smem:$0x3FB0]  }
0x29: {  	s4 =	sld [smem:$0x3FB2]  }
0x2a: {  	p0 =	seq.s32 s5, $0x0;
	s5 =	sld [smem:$0x3FB3]  }
0x2b: {  	s6 =	sld [smem:$0x3FB4]  }
0x2c: {  	s7 =	sld [smem:$0x3FB5]  }
0x2d: {  	s3 =	simm.s32 $0x108;
	s8 =	sld [smem:$0x3FB6]  }
0x2e: {  	s3 =	simm.s32 @!p0 $0x1082;
	s9 =	sld [smem:$0x3FB7]  }
0x2f: {  	lr =	sadd.s32 s0, s3;
	s0 =	sld [smem:$0x3FAE]  }
0x30: {  	s3 =	sld [smem:$0x3FB1]  }
0x31: {  	[smem:$0x3FBA] =	sst s10  }
0x32: {  	s10 =	sld [smem:$0x3FB8];
	_ =	sdelay $0x3  }
0x33: {  	p0 =	seq.s32 s10, $0x1;
	s10 =	sld [smem:$0x3FBA];
	_ =	sdelay $0x3  }
0x34: {  	[smem:$0x3FBA] =	sst s10  }
0x35: {  	s10 =	sld [smem:$0x3FB9];
	_ =	sdelay $0x3  }
0x36: {  	p1 =	seq.s32 s10, $0x1;
	s10 =	sld [smem:$0x3FBA];
	_ =	sdelay $0x3  }
0x37: {  	[smem:$0x3FBA] =	sst s10  }
0x38: {  	s10 =	sld [smem:$0x3FBB]  }
0x39: {  	_ = 	snop;
	(pc) =	sbr.ind lr, $3  }
0x3a: {  	_ = 	snop  }
0x3b: {  	_ = 	snop  }
0x3c: {  	p2 =	seq.s32 s10, $0x1;
	s10 =	sld [smem:$0x3FBA]  }
0x3d: {  	_ =	shalt  }
0x3e: {  	_ =	shalt  }
0x3f: {  	_ =	shalt  }
0x40: {  	_ =	shalt  }
0x41: {  	_ =	shalt  }
0x42: {  	_ =	shalt  }
0x43: {  	_ =	shalt  }
0x44: {  	_ =	shalt  }
0x45: {  	_ =	shalt  }
0x46: {  	_ =	shalt  }
0x47: {  	_ =	shalt  }
0x48: {  	_ =	shalt  }
0x49: {  	_ =	shalt  }
0x4a: {  	_ =	shalt  }
0x4b: {  	_ =	shalt  }
0x4c: {  	_ =	shalt  }
0x4d: {  	_ =	shalt  }
0x4e: {  	_ =	shalt  }
0x4f: {  	_ =	shalt  }
0x50: {  	_ =	shalt  }
0x51: {  	_ =	shalt  }
0x52: {  	_ =	shalt  }
0x53: {  	_ =	shalt  }
0x54: {  	_ =	shalt  }
0x55: {  	_ =	shalt  }
0x56: {  	_ =	shalt  }
0x57: {  	_ =	shalt  }
0x58: {  	_ =	shalt  }
0x59: {  	_ =	shalt  }
0x5a: {  	_ =	shalt  }
0x5b: {  	_ =	shalt  }
0x5c: {  	_ =	shalt  }
0x5d: {  	_ =	shalt  }
0x5e: {  	_ =	shalt  }
0x5f: {  	_ =	shalt  }
0x60: {  	_ =	shalt  }
0x61: {  	_ =	shalt  }
0x62: {  	_ =	shalt  }
0x63: {  	_ =	shalt  }
0x64: {  	_ =	shalt  }
0x65: {  	_ =	shalt  }
0x66: {  	_ =	shalt  }
0x67: {  	_ =	shalt  }
0x68: {  	_ =	shalt  }
0x69: {  	_ =	shalt  }
0x6a: {  	_ =	shalt  }
0x6b: {  	_ =	shalt  }
0x6c: {  	_ =	shalt  }
0x6d: {  	_ =	shalt  }
0x6e: {  	_ =	shalt  }
0x6f: {  	_ =	shalt  }
0x70: {  	_ =	shalt  }
0x71: {  	_ =	shalt  }
0x72: {  	_ =	shalt  }
0x73: {  	_ =	shalt  }
0x74: {  	_ =	shalt  }
0x75: {  	_ =	shalt  }
0x76: {  	_ =	shalt  }
0x77: {  	_ =	shalt  }
0x78: {  	_ =	shalt  }
0x79: {  	_ =	shalt  }
0x7a: {  	_ =	shalt  }
0x7b: {  	_ =	shalt  }
0x7c: {  	_ =	shalt  }
0x7d: {  	_ =	shalt  }
0x7e: {  	_ =	shalt  }
0x7f: {  	_ =	shalt  }
0x80: {  	_ =	shalt  }
0x81: {  	_ =	shalt  }
0x82: {  	_ =	shalt  }
0x83: {  	_ =	shalt  }
0x84: {  	_ =	shalt  }
0x85: {  	_ =	shalt  }
0x86: {  	_ =	shalt  }
0x87: {  	_ =	shalt  }
.Lfunc_end0:
.L_simem_size_0:
called_computation_lowered:
.L_overlay_start_0:
0x88: {  	s2 =	sld [smem:$0x3FD9]  }
0x89: {  	s3 =	sld [smem:$0x3FFE];
	_ =	sdelay $0x1  }
0x8a: {  	s1 =	srdreg.scid  }
0x8b: {  	s0 =	sand.u32 $0x1, s1  }
0x8c: {  	s17 =	sshll.u32 s0, $0xA;
	s2 =	sadd.s32 s3, s2  }
0x8d: {  	s2 =	sadd.s32 s2, s17  }
0x8e: {  	[smem:$0x3FC6] =	sst s2  }
0x8f: {  	_ = 	snop  }
0x90: {  	s2 =	sld [smem:$0x3FC9]  }
0x91: {  	s18 =	sld [smem:$0x3FD0];
	(tm) =	ssettm $0x1  }
0x92: {  	s4 =	sld [smem:$0x3FFB];
	_ =	sdelay $0x3  }
0x93: {  	_ =	strace s4  }
0x94: {  	s4 =	sld [smem:$0x3FFC];
	_ =	sdelay $0x3  }
0x95: {  	_ =	strace s4  }
0x96: {  	s4 =	sld [smem:$0x3FFD];
	_ =	sdelay $0x3  }
0x97: {  	_ =	strace s4  }
0x98: {  	_ =	strace $0x8FFFFFFF  }
0x99: {  	s19 =	sld [smem:$0x3FDB];
	_ =	sdelay $0x1  }
0x9a: {  	s5 =	simm.s32 $_scs_section_size  }
0x9b: {  	s6 =	simm.s32 $_size__tile_overlayer_lowered;
	s7 =	simm.s32 $_tile_overlayer_lowered  }
0x9c: {  	s22 =	simm.s32 $0x1BFF;
	s21 =	sshll.u32 s7, $0x1;
	s4 =	sadd.s32 s5, s19  }
0x9d: {  	s8 =	simm.s32 $0x0;
	s20 =	sshll.u32 s6, $0x1;
	s6 =	sadd.s32 s21, s4  }
0x9e: {  	[timem:s8], [sflag:s22] =	dma.local [hbm:s6], s20  }
0x9f: {  	_ =	swait.ge [sflag:s22], s20  }
0xa0: {  	s5 =	ssub.s32 $0x0, s20;
	[sflag:s22] =	ssyncset.done $0x0  }
0xa1: {  	[sflag:s22] =	ssyncadd.s32 s5;
	_ =	sdelay $0x1  }
0xa2: {  	s23 =	simm.s32 $0x1B8B  }
0xa3: {  	_ =	swait.ge [sflag:s23], $0x1  }
0xa4: {  	[sflag:s23] =	ssyncset.done $0x0  }
0xa5: {  	s25 =	simm.s32 $0x1B8E;
	s24 =	sld [smem:$0x3FFE];
	[sflag:s23] =	ssyncadd.s32 $0xFFFFFFFF  }
0xa6: {  	s26 =	simm.s32 $execute0_lowered;
	[smem:$0x3FD2] =	sst s25  }
0xa7: {  	s6 =	sshll.u32 s26, $0x1;
	_ =	strace $0x80000046;
	[dreg:$0x1] =	wrdreg $0xFFFFFFFF  }
0xa8: {  	s28 =	simm.s32 $_size_execute0_lowered;
	s4 =	sadd.s32 s4, s6;
	[dreg:$0x0] =	wrdreg $0x0  }
0xa9: {  	s6 =	sshll.u32 s28, $0x1;
	[dreg:$0x2] =	wrdreg s4  }
0xaa: {  	[dreg:$0x3] =	wrdreg s6  }
0xab: {  	[dreg:$0x4] =	wrdreg $0xC0  }
0xac: {  	_ =	task [dreg:s8], $0x5FFFF  }
0xad: {  	[dreg:$0x1] =	wrdreg $0xFFFFFFFF  }
0xae: {  	[dreg:$0x0] =	wrdreg $0x60  }
0xaf: {  	[dreg:$0x2] =	wrdreg s2  }
0xb0: {  	[dreg:$0x3] =	wrdreg s24  }
0xb1: {  	[dreg:$0x4] =	wrdreg s18  }
0xb2: {  	[dreg:$0x5] =	wrdreg $0x9  }
0xb3: {  	_ =	task.clear_ibuf [dreg:s8], $0x6FFFF;
	_ =	strace $0x90000046  }
0xb4: {  	s29 =	simm.s32 $0x9;
	_ =	strace $0x80000048  }
0xb5: {  	_ =	swait.ge [sflag:s29], $0x1  }
0xb6: {  	[sflag:s29] =	ssyncadd.s32 $0xFFFFFFFF  }
0xb7: {  	_ =	strace $0x90000048  }
0xb8: {  	_ =	sfence  }
0xb9: {  	s30 =	sld [smem:$0x0];
	_ =	sdelay $0x2  }
0xba: {  	s31 =	sshll.u32 s1, $0xD;
	s1 =	sshrl.u32 s1, $0x2  }
0xbb: {  	s3 =	sand.u32 $0x4000, s31;
	s1 =	sadd.s32 s1, s30  }
0xbc: {  	s0 =	sor.u32 s3, s0;
	s1 =	sshll.u32 s1, $0x11  }
0xbd: {  	s0 =	sor.u32 s1, s0  }
0xbe: {  	s0 =	sadd.s32 $0x8F2B, s0  }
0xbf: {  	[sflag:s0] =	ssyncadd.remote.s32 $0x1  }
0xc0: {  	_ =	sfence.sel $0xFFFF  }
0xc1: {  	[dreg:$0x0] =	wrdreg $0xFFFFFFFF;
	(pc) =	sbr.abs _section_cstart, $3  }
0xc2: {  	[dreg:$0x1] =	wrdreg $0xFFFFFFFF  }
0xc3: {  	_ =	task.clear_ibuf [dreg:s8], $0x2FFFF;
	_ =	strace $0x9FFFFFFF  }
0xc4: {  	(tm) =	ssettm $0x7FFFFFFF  }
0xc5: {  	_ =	shalt  }
tec
execute0_lowered:
.L_overlay_start_1:
0x0: {  	(tag) =	ssettag $0x1  }
0x1: {  	s1 =	rddreg [dreg:$0x0]  }
0x2: {  	s0 =	rddreg [dreg:$0x2];
	s3 =	srdreg.scid  }
0x3: {  	s4 =	simm.s32 $0x0;
	s2 =	stileid.u32;
	s10 =	simm.s32 $0x100  }
0x4: {  	s11 =	simm.s32 $0x400;
	s12 =	simm.s32 $0xF080;
	s13 =	simm.s32 $0x0  }
0x5: {  	s3 =	sand.u32 $0x1, s3;
	[smem:$0x7FF] =	sst s4;
	s5 =	sshll.u32 s2, $0x2  }
.Ltmp0:
0x6: {  	s30 =	sshll.u32 s2, $0x7;
	s6 =	sshll.u32 s3, $0x1;
	(pc) =	sbr.rel .LBB2_1-.Ltmp0, $4  }
0x7: {  	s3 =	ssub.s32 $0x2, s3;
	_ =	strace $0x80000047;
	s5 =	sor.u32 s6, s5  }
0x8: {  	s7 =	sshrl.u32 s3, $0x1;
	s6 =	sand.u32 $0x700, s30;
	s8 =	sshll.u32 s5, $0x4  }
0x9: {  	s3 =	ssub.s32 s3, s7;
	s0 =	sadd.s32 s0, s6;
	s31 =	sand.u32 $0x60, s8  }
0xa: {  	s7 =	smax.u32 s3, $0x1;
	s8 =	simm.s32 $0x6;
	s6 =	sadd.s32 s31, s0  }
.LBB2_11:
0xb: {  	[tilespmem:$0xF080] =	vst v31  }
0xc: {  	[tilespmem:$0xF100] =	vst v23  }
0xd: {  	[tilespmem:$0xF090] =	vst v30  }
0xe: {  	[tilespmem:$0xF110] =	vst v21  }
0xf: {  	[tilespmem:$0xF0A0] =	vst v29  }
0x10: {  	[tilespmem:$0xF120] =	vst v19  }
0x11: {  	[tilespmem:$0xF0B0] =	vst v28  }
0x12: {  	[tilespmem:$0xF130] =	vst v17  }
0x13: {  	[tilespmem:$0xF0C0] =	vst v27  }
0x14: {  	[tilespmem:$0xF140] =	vst v15  }
0x15: {  	[tilespmem:$0xF0D0] =	vst v26  }
0x16: {  	[tilespmem:$0xF150] =	vst v14  }
0x17: {  	[tilespmem:$0xF0E0] =	vst v25  }
0x18: {  	[tilespmem:$0xF160] =	vst v12  }
0x19: {  	[tilespmem:$0xF0F0] =	vst v24  }
0x1a: {  	[tilespmem:$0xF170] =	vst v10  }
0x1b: {  	[tilespmem:$0xF180] =	vst v22  }
0x1c: {  	[tilespmem:$0xF200] =	vst v8  }
0x1d: {  	[tilespmem:$0xF190] =	vst v20  }
0x1e: {  	[tilespmem:$0xF210] =	vst v6  }
0x1f: {  	[tilespmem:$0xF1A0] =	vst v18  }
0x20: {  	[tilespmem:$0xF220] =	vst v5  }
0x21: {  	[tilespmem:$0xF1B0] =	vst v16  }
0x22: {  	[tilespmem:$0xF230] =	vst v4  }
0x23: {  	[tilespmem:$0xF1C0] =	vst v13  }
0x24: {  	[tilespmem:$0xF240] =	vst v3  }
0x25: {  	[tilespmem:$0xF1D0] =	vst v11  }
0x26: {  	[tilespmem:$0xF250] =	vst v2  }
0x27: {  	[tilespmem:$0xF1E0] =	vst v9  }
0x28: {  	[tilespmem:$0xF260] =	vst v1;
	s13 =	sadd.s32 $0x1, s13  }
0x29: {  	[tilespmem:$0xF1F0] =	vst v7;
	p0 =	sne.s32 s13, s7  }
.Ltmp1:
0x2a: {  	[tilespmem:$0xF270] =	vst v0;
	(pc) =	sbr.rel @!p0 .LBB2_12-.Ltmp1, $4  }
0x2b: {  	[hbm4b:s6+s10] =	stream.strided.scatter [tilespmem:s12], [sflag:$0x6], $0x200, s11, s10, $0x38;
	[tilespmem:$0xF280] =	vst v63  }
0x2c: {  	_ =	swait.ge [sflag:s8], $0x200  }
0x2d: {  	[sflag:s8] =	ssyncset.done $0x0  }
0x2e: {  	[sflag:s8] =	ssyncadd.s32 $0xFFFFFE00  }
.LBB2_1:
0x2f: {  	s0 =	rddreg [dreg:$0x1]  }
0x30: {  	[tilespmem:s4], [sflag:$0x6] =	stream.linear.gather [hbm4b:s0+s4], $0x80, $0x38;
	[tilespmem:$0xF280] =	vst v63  }
0x31: {  	_ =	swait.ge [sflag:s8], $0x80  }
0x32: {  	[sflag:s8] =	ssyncset.done $0x0  }
0x33: {  	[sflag:s8] =	ssyncadd.s32 $0xFFFFFF80  }
0x34: {  	v0 =	vld [tilespmem:s5+$0x0];
	_ =	sdelay $0x4  }
0x35: {  	(v2sf) =	vpush v0, $0x0;
	_ =	sdelay $0x5  }
0x36: {  	(v2sf) =	vpush v0, $0x1  }
0x37: {  	(v2sf) =	vpush v0, $0x2;
	_ =	sdelay $0x7  }
0x38: {  	s14 =	spop (v2sf)  }
0x39: {  	s29 =	sand.u32 $0x7, s14  }
0x3a: {  	s3 =	sshra.s32 s14, $0x1F;
	p0 =	slt.s32 s14, $0x1;
	p1 =	sne.s32 s29, $0x0  }
0x3b: {  	s30 =	sshrl.u32 s3, $0x1D;
	p0 =	por !p0, !p1  }
0x3c: {  	s3 =	simm.s32 $0x1;
	s0 =	sadd.s32 s30, s14;
	p0 =	por !p0, !p0  }
0x3d: {  	s0 =	sshrl.u32 s0, $0x3;
	s3 =	simm.s32 @!p0 $0x0  }
0x3e: {  	s15 =	spop (v2sf);
	s0 =	ssub.s32 s0, s3  }
0x3f: {  	s16 =	spop (v2sf);
	s17 =	sshll.u32 s0, $0x3  }
0x40: {  	s0 =	ssub.s32 s16, s17  }
0x41: {  	s31 =	sadd.s32 $0x2F, s0  }
0x42: {  	s18 =	smulhi.u32 $0x2AAAAAAB, s31;
	s19 =	sshra.s32 s31, $0x1F  }
0x43: {  	s19 =	smul.u32 $0x2AAAAAAB, s19;
	_ =	sdelay $0x1  }
0x44: {  	s18 =	sadd.s32 s19, s18  }
0x45: {  	s19 =	sshrl.u32 s18, $0x1F;
	s18 =	sshra.s32 s18, $0x3  }
0x46: {  	s18 =	sadd.s32 s19, s18  }
0x47: {  	s19 =	smul.u32 $0xFFFFFFD0, s18  }
0x48: {  	s0 =	ssub.s32 $0xFFFFFFD1, s0  }
0x49: {  	p5 =	slt.s32 s31, $0x1;
	p6 =	sne.s32 s19, s0  }
0x4a: {  	p1 =	slt.s32 s17, $0xC320;
	s0 =	smov.u32 s17;
	p0 =	por !p5, !p6  }
0x4b: {  	s3 =	simm.s32 $0x1;
	s0 =	simm.s32 @!p1 $0xC320;
	p0 =	por !p0, !p0  }
0x4c: {  	s0 =	sshll.u32 s0, $0x5;
	s3 =	simm.s32 @!p0 $0x0  }
0x4d: {  	s2 =	simm.s32 $0x80;
	s0 =	sadd.s32 s1, s0;
	s18 =	ssub.s32 s18, s3  }
0x4e: {  	[tilespmem:s2], [sflag:$0x1] =	stream.linear.gather [hbm4b:s0+s4], $0x3000, $0x38;
	[tilespmem:$0xF280] =	vst v63  }
0x4f: {  	p0 =	slt.s32 s18, $0x2  }
0x50: {  	s0 =	sadd.s32 @!p0 $0x30, s17  }
0x51: {  	p1 =	slt.s32 @!p0 s0, $0xC320  }
0x52: {  	p1 =	por !p1, p0  }
0x53: {  	s0 =	simm.s32 @p1 $0xC320  }
0x54: {  	s3 =	simm.s32 @!p0 $0x0;
	p2 =	seq.s32 @!p0 s18, $0x2;
	s0 =	sshll.u32 @!p0 s0, $0x5  }
0x55: {  	s19 =	simm.s32 @!p0 $0x3080;
	p3 =	por p2, p0;
	s0 =	sadd.s32 @!p0 s1, s0  }
0x56: {  	[tilespmem:s19], [sflag:$0x2] =	stream.linear.gather @!p0 [hbm4b:s0+s3], $0x3000, $0x38;
	[tilespmem:$0xF280] =	vst v63  }
0x57: {  	s0 =	sadd.s32 @!p3 $0x60, s17  }
0x58: {  	p1 =	slt.s32 @!p3 s0, $0xC320  }
0x59: {  	p1 =	por @!p0 !p1, p2  }
0x5a: {  	p1 =	por !p1, p0  }
0x5b: {  	p4 =	slt.u32 @!p3 s18, $0x4;
	s0 =	simm.s32 @!p1 $0xC320  }
0x5c: {  	s3 =	simm.s32 @!p3 $0x0;
	p1 =	por @!p0 p4, p2;
	s0 =	sshll.u32 @!p3 s0, $0x5  }
0x5d: {  	s19 =	simm.s32 @!p3 $0x6080;
	p1 =	por p1, p0;
	s0 =	sadd.s32 @!p3 s1, s0  }
0x5e: {  	[tilespmem:s19], [sflag:$0x3] =	stream.linear.gather @!p3 [hbm4b:s0+s3], $0x3000, $0x38;
	[tilespmem:$0xF280] =	vst v63  }
0x5f: {  	v1 =	vimm.f32 $-Inf;
	v2 =	vimm.f32 $-Inf;
	s0 =	sadd.s32 @!p1 $0x90, s17  }
0x60: {  	v3 =	vimm.f32 $-Inf;
	v4 =	vimm.f32 $-Inf;
	v5 =	vimm.f32 $-Inf;
	p5 =	slt.s32 @!p1 s0, $0xC320  }
0x61: {  	v6 =	vimm.f32 $-Inf;
	v8 =	vimm.f32 $-Inf;
	v10 =	vimm.f32 $-Inf;
	p3 =	por @!p3 !p5, p4  }
0x62: {  	v12 =	vimm.f32 $-Inf;
	v14 =	vimm.f32 $-Inf;
	v15 =	vimm.f32 $-Inf;
	p2 =	por @!p0 !p3, p2  }
0x63: {  	v17 =	vimm.f32 $-Inf;
	v19 =	vimm.f32 $-Inf;
	v21 =	vimm.f32 $-Inf;
	p0 =	por !p2, p0  }
0x64: {  	v23 =	vimm.f32 $-Inf;
	v7 =	vimm.f32 $-Inf;
	v9 =	vimm.f32 $-Inf;
	s0 =	simm.s32 @p0 $0xC320  }
.Ltmp2:
0x65: {  	v11 =	vimm.f32 $-Inf;
	v13 =	vimm.f32 $-Inf;
	v16 =	vimm.f32 $-Inf;
	s0 =	sshll.u32 @!p1 s0, $0x5;
	(pc) =	sbr.rel .LBB2_2-.Ltmp2, $4  }
0x66: {  	v18 =	vimm.f32 $-Inf;
	v20 =	vimm.f32 $-Inf;
	v22 =	vimm.f32 $-Inf;
	s3 =	simm.s32 @!p1 $0x0;
	s19 =	simm.s32 @!p1 $0x9080;
	s0 =	sadd.s32 @!p1 s1, s0  }
0x67: {  	v24 =	vimm.f32 $-Inf;
	v25 =	vimm.f32 $-Inf;
	v26 =	vimm.f32 $-Inf;
	[tilespmem:s19], [sflag:$0x4] =	stream.linear.gather @!p1 [hbm4b:s0+s3], $0x3000, $0x38;
	[tilespmem:$0xF280] =	vst v63  }
0x68: {  	v27 =	vimm.f32 $-Inf;
	v28 =	vimm.f32 $-Inf;
	v29 =	vimm.f32 $-Inf;
	p0 =	sgt.s32 s18, $0x1;
	s19 =	smov.u32 s18  }
0x69: {  	v30 =	vimm.f32 $-Inf;
	v31 =	vimm.f32 $-Inf;
	s21 =	simm.s32 $0x0;
	v0 =	vimm.f32 $-Inf;
	s20 =	smov.u32 s17;
	s19 =	simm.s32 @!p0 $0x1  }
.LBB2_9:
0x6a: {  	v37 =	vld [tilespmem:s26+$0x440]  }
0x6b: {  	v38 =	vld [tilespmem:s26+$0x450]  }
0x6c: {  	v39 =	vld [tilespmem:s26+$0x460];
	_ =	sdelay $0x2  }
0x6d: {  	v10 =	vmax.f32 v10, v34;
	v8 =	vmax.f32 v8, v32  }
0x6e: {  	v6 =	vmax.f32 v6, v33;
	v5 =	vmax.f32 v5, v35;
	v4 =	vmax.f32 v4, v36  }
0x6f: {  	v3 =	vmax.f32 v3, v37;
	v2 =	vmax.f32 v2, v38;
	v1 =	vmax.f32 v1, v39  }
.LBB2_10:
0x70: {  	s21 =	sadd.s32 $0x1, s21  }
0x71: {  	p0 =	sne.s32 s21, s19  }
.Ltmp3:
0x72: {  	_ = 	snop;
	(pc) =	sbr.rel @!p0 .LBB2_11-.Ltmp3, $2  }
0x73: {  	_ =	sdelay $0x2  }
0x74: {  	s20 =	sadd.s32 $0x30, s20  }
.LBB2_2:
0x75: {  	s0 =	smulhi.u32 $0xCCCCCCCD, s21;
	s3 =	sadd.s32 $0x4, s21  }
0x76: {  	s23 =	smul.u32 $0x30, s21;
	p0 =	sle.s32 s18, s3  }
0x77: {  	s22 =	smulhi.u32 @!p0 $0xCCCCCCCD, s3  }
0x78: {  	s0 =	sshrl.u32 s0, $0x2;
	s24 =	smul.u32 @!p0 $0x30, s3  }
0x79: {  	s0 =	smul.u32 $0x5, s0;
	s22 =	sshrl.u32 @!p0 s22, $0x2  }
0x7a: {  	s23 =	sadd.s32 s17, s23;
	s22 =	smul.u32 @!p0 $0x5, s22  }
0x7b: {  	p1 =	slt.s32 s23, $0xC320  }
0x7c: {  	s26 =	ssub.s32 s21, s0;
	s0 =	ssub.s32 @!p0 s3, s22;
	s3 =	sadd.s32 @!p0 s17, s24  }
0x7d: {  	s23 =	simm.s32 @!p1 $0xC320;
	s31 =	sadd.s32 $0x1, s26;
	p2 =	slt.s32 @!p0 s3, $0xC320  }
0x7e: {  	_ =	swait.ge [sflag:s31], $0x3000;
	s24 =	smul.u32 @!p0 $0xC000, s0;
	p1 =	por !p2, p0  }
0x7f: {  	[sflag:s31] =	ssyncset.done $0x0;
	s0 =	sadd.s32 @!p0 $0x1, s0;
	s3 =	simm.s32 @p1 $0xC320  }
0x80: {  	[sflag:s31] =	ssyncadd.s32 $0xFFFFD000;
	s24 =	sshrl.u32 @!p0 s24, $0x2;
	s3 =	sshll.u32 @!p0 s3, $0x5  }
0x81: {  	s22 =	sor.u32 @!p0 $0x80, s24;
	s24 =	simm.s32 @!p0 $0x0;
	s3 =	sadd.s32 @!p0 s1, s3  }
0x82: {  	[tilespmem:s22], [sflag:s0] =	stream.linear.gather @!p0 [hbm4b:s3+s24], $0x3000, $0x38;
	[tilespmem:$0xF280] =	vst v63  }
0x83: {  	s0 =	ssub.s32 s14, s23  }
0x84: {  	s22 =	ssub.s32 s16, s23;
	p0 =	sgt.s32 s0, $0x0  }
0x85: {  	s3 =	ssub.s32 s15, s23;
	s24 =	smov.u32 s20;
	s0 =	simm.s32 @!p0 $0x0  }
0x86: {  	p0 =	slt.s32 s22, $0x30;
	p1 =	sgt.s32 s3, s0;
	s25 =	smov.u32 s0  }
0x87: {  	s22 =	simm.s32 @!p0 $0x30;
	p0 =	slt.s32 s20, $0xC320;
	s25 =	smov.u32 @p1 s3  }
0x88: {  	s24 =	simm.s32 @!p0 $0xC320;
	s23 =	smov.u32 s22;
	p0 =	slt.s32 s25, s22  }
0x89: {  	s23 =	smov.u32 @p0 s25  }
0x8a: {  	p1 =	sge.s32 s0, s23  }
.Ltmp4:
0x8b: {  	_ = 	snop;
	(pc) =	sbr.rel @p1 .LBB2_6-.Ltmp4, $4  }
0x8c: {  	_ = 	snop  }
0x8d: {  	s28 =	ssub.s32 s14, s24  }
0x8e: {  	p0 =	sgt.s32 s28, $0x0  }
0x8f: {  	s26 =	smul.u32 $0xC000, s26;
	s28 =	simm.s32 @!p0 $0x0  }
0x90: {  	_ = 	snop  }
0x91: {  	s3 =	sshll.u32 s28, $0x8;
	s30 =	sshra.s32 s26, $0x2  }
0x92: {  	s29 =	sshll.u32 s28, $0x7;
	s31 =	sand.u32 $0x7FFFF800, s3;
	s30 =	sor.u32 $0x80, s30  }
0x93: {  	s2 =	sand.u32 $0x380, s29;
	s31 =	sadd.s32 s31, s30  }
0x94: {  	s31 =	sadd.s32 s2, s31  }
0x95: {  	v33 =	vld [tilespmem:s31+$0x470]  }
0x96: {  	v35 =	vld [tilespmem:s31+$0x0]  }
0x97: {  	v36 =	vld [tilespmem:s31+$0x10]  }
0x98: {  	v37 =	vld [tilespmem:s31+$0x20]  }
0x99: {  	v38 =	vld [tilespmem:s31+$0x30]  }
0x9a: {  	v39 =	vld [tilespmem:s31+$0x40]  }
0x9b: {  	s0 =	sadd.s32 $0x1, s0;
	v40 =	vld [tilespmem:s31+$0x50]  }
0x9c: {  	p0 =	slt.s32 s0, s23;
	v41 =	vld [tilespmem:s31+$0x60]  }
.Ltmp5:
0x9d: {  	v34 =	vld [tilespmem:s31+$0x70];
	(pc) =	sbr.rel @!p0 .LBB2_5-.Ltmp5, $4  }
0x9e: {  	v32 =	vld [tilespmem:s31+$0x400]  }
0x9f: {  	v7 =	vmax.f32 v7, v33;
	v31 =	vmax.f32 v31, v35;
	v33 =	vld [tilespmem:s31+$0x410]  }
0xa0: {  	v30 =	vmax.f32 v30, v36;
	v29 =	vmax.f32 v29, v37;
	v28 =	vmax.f32 v28, v38;
	v35 =	vld [tilespmem:s31+$0x420]  }
0xa1: {  	s3 =	sadd.s32 $0x100, s3;
	v27 =	vmax.f32 v27, v39;
	v26 =	vmax.f32 v26, v40;
	v25 =	vmax.f32 v25, v41;
	v36 =	vld [tilespmem:s31+$0x430]  }
.LBB2_4:
0xa2: {  	s2 =	sand.u32 $0x7FFFF800, s3;
	s0 =	sadd.s32 $0x1, s0;
	v24 =	vmax.f32 v24, v34;
	v34 =	vld [tilespmem:s31+$0x440];
	s29 =	sadd.s32 $0x80, s29  }
0xa3: {  	s9 =	sand.u32 $0x380, s29;
	s2 =	sadd.s32 s2, s30;
	p0 =	slt.s32 s0, s23;
	v22 =	vmax.f32 v22, v32;
	v32 =	vld [tilespmem:s31+$0x450]  }
0xa4: {  	v20 =	vmax.f32 v20, v33;
	v33 =	vld [tilespmem:s31+$0x460];
	s31 =	sadd.s32 s9, s2  }
0xa5: {  	v37 =	vld [tilespmem:s31+$0x470];
	v18 =	vmax.f32 v18, v35  }
0xa6: {  	v35 =	vld [tilespmem:s31+$0x0];
	v16 =	vmax.f32 v16, v36  }
0xa7: {  	v36 =	vld [tilespmem:s31+$0x10];
	v13 =	vmax.f32 v13, v34  }
0xa8: {  	v34 =	vld [tilespmem:s31+$0x20];
	v11 =	vmax.f32 v11, v32  }
0xa9: {  	v32 =	vld [tilespmem:s31+$0x30];
	v9 =	vmax.f32 v9, v33  }
0xaa: {  	v33 =	vld [tilespmem:s31+$0x40];
	v7 =	vmax.f32 v7, v37  }
0xab: {  	v31 =	vmax.f32 v31, v35;
	v35 =	vld [tilespmem:s31+$0x50]  }
0xac: {  	v30 =	vmax.f32 v30, v36;
	v36 =	vld [tilespmem:s31+$0x60]  }
.Ltmp6:
0xad: {  	v29 =	vmax.f32 v29, v34;
	v34 =	vld [tilespmem:s31+$0x70];
	(pc) =	sbr.rel @p0 .LBB2_4-.Ltmp6, $4  }
0xae: {  	v28 =	vmax.f32 v28, v32;
	v32 =	vld [tilespmem:s31+$0x400]  }
0xaf: {  	v27 =	vmax.f32 v27, v33;
	v33 =	vld [tilespmem:s31+$0x410]  }
0xb0: {  	v26 =	vmax.f32 v26, v35;
	v35 =	vld [tilespmem:s31+$0x420]  }
0xb1: {  	s3 =	sadd.s32 $0x100, s3;
	v25 =	vmax.f32 v25, v36;
	v36 =	vld [tilespmem:s31+$0x430]  }
.LBB2_5:
0xb2: {  	v37 =	vld [tilespmem:s31+$0x440]  }
0xb3: {  	v38 =	vld [tilespmem:s31+$0x450]  }
0xb4: {  	v39 =	vld [tilespmem:s31+$0x460];
	_ =	sdelay $0x2  }
0xb5: {  	v24 =	vmax.f32 v24, v34;
	v22 =	vmax.f32 v22, v32  }
0xb6: {  	v20 =	vmax.f32 v20, v33;
	v18 =	vmax.f32 v18, v35;
	v16 =	vmax.f32 v16, v36  }
0xb7: {  	v13 =	vmax.f32 v13, v37;
	v11 =	vmax.f32 v11, v38;
	v9 =	vmax.f32 v9, v39  }
.LBB2_6:
0xb8: {  	p0 =	sge.s32 s25, s22  }
.Ltmp7:
0xb9: {  	_ = 	snop;
	(pc) =	sbr.rel @p0 .LBB2_10-.Ltmp7, $1  }
0xba: {  	_ =	sdelay $0x3  }
0xbb: {  	s0 =	ssub.s32 s15, s24  }
0xbc: {  	p0 =	sgt.s32 s28, s0  }
0xbd: {  	s3 =	ssub.s32 s16, s24;
	s0 =	smov.u32 @p0 s28  }
0xbe: {  	p0 =	slt.s32 s0, s3  }
0xbf: {  	s3 =	smov.u32 @p0 s0  }
0xc0: {  	p0 =	slt.s32 s3, $0x30  }
0xc1: {  	s3 =	simm.s32 @!p0 $0x30  }
0xc2: {  	s30 =	sshra.s32 s26, $0x2;
	s24 =	sshll.u32 s3, $0x7;
	s3 =	sshll.u32 s3, $0x8  }
0xc3: {  	s25 =	sor.u32 $0x80, s30;
	s31 =	sand.u32 $0xFFFFF800, s3  }
0xc4: {  	s2 =	sand.u32 $0x380, s24;
	s0 =	sadd.s32 s31, s25  }
0xc5: {  	s26 =	sadd.s32 s2, s0  }
0xc6: {  	v33 =	vld [tilespmem:s26+$0x470]  }
0xc7: {  	v35 =	vld [tilespmem:s26+$0x0]  }
0xc8: {  	v36 =	vld [tilespmem:s26+$0x10]  }
0xc9: {  	v37 =	vld [tilespmem:s26+$0x20]  }
0xca: {  	v38 =	vld [tilespmem:s26+$0x30]  }
0xcb: {  	v39 =	vld [tilespmem:s26+$0x40]  }
0xcc: {  	s0 =	sadd.s32 $0x1, s23;
	v40 =	vld [tilespmem:s26+$0x50]  }
0xcd: {  	v41 =	vld [tilespmem:s26+$0x60];
	p0 =	slt.s32 s0, s22  }
.Ltmp8:
0xce: {  	v34 =	vld [tilespmem:s26+$0x70];
	(pc) =	sbr.rel @!p0 .LBB2_9-.Ltmp8, $4  }
0xcf: {  	v32 =	vld [tilespmem:s26+$0x400]  }
0xd0: {  	v0 =	vmax.f32 v0, v33;
	v23 =	vmax.f32 v23, v35;
	v33 =	vld [tilespmem:s26+$0x410]  }
0xd1: {  	v21 =	vmax.f32 v21, v36;
	v19 =	vmax.f32 v19, v37;
	v17 =	vmax.f32 v17, v38;
	v35 =	vld [tilespmem:s26+$0x420]  }
0xd2: {  	s3 =	sadd.s32 $0x100, s3;
	v15 =	vmax.f32 v15, v39;
	v14 =	vmax.f32 v14, v40;
	v12 =	vmax.f32 v12, v41;
	v36 =	vld [tilespmem:s26+$0x430]  }
.LBB2_8:
0xd3: {  	s2 =	sand.u32 $0xFFFFF800, s3;
	s0 =	sadd.s32 $0x1, s0;
	v10 =	vmax.f32 v10, v34;
	v34 =	vld [tilespmem:s26+$0x440];
	s24 =	sadd.s32 $0x80, s24  }
0xd4: {  	v8 =	vmax.f32 v8, v32;
	s9 =	sand.u32 $0x380, s24;
	s2 =	sadd.s32 s2, s25;
	p0 =	slt.s32 s0, s22;
	v32 =	vld [tilespmem:s26+$0x450]  }
0xd5: {  	v6 =	vmax.f32 v6, v33;
	v33 =	vld [tilespmem:s26+$0x460];
	s26 =	sadd.s32 s9, s2  }
0xd6: {  	v5 =	vmax.f32 v5, v35;
	v37 =	vld [tilespmem:s26+$0x470]  }
0xd7: {  	v4 =	vmax.f32 v4, v36;
	v35 =	vld [tilespmem:s26+$0x0]  }
0xd8: {  	v36 =	vld [tilespmem:s26+$0x10];
	v3 =	vmax.f32 v3, v34  }
0xd9: {  	v34 =	vld [tilespmem:s26+$0x20];
	v2 =	vmax.f32 v2, v32  }
0xda: {  	v32 =	vld [tilespmem:s26+$0x30];
	v1 =	vmax.f32 v1, v33  }
0xdb: {  	v33 =	vld [tilespmem:s26+$0x40];
	v0 =	vmax.f32 v0, v37  }
0xdc: {  	v23 =	vmax.f32 v23, v35;
	v35 =	vld [tilespmem:s26+$0x50]  }
0xdd: {  	v21 =	vmax.f32 v21, v36;
	v36 =	vld [tilespmem:s26+$0x60]  }
.Ltmp9:
0xde: {  	v19 =	vmax.f32 v19, v34;
	v34 =	vld [tilespmem:s26+$0x70];
	(pc) =	sbr.rel @p0 .LBB2_8-.Ltmp9, $4  }
0xdf: {  	v17 =	vmax.f32 v17, v32;
	v32 =	vld [tilespmem:s26+$0x400]  }
0xe0: {  	v15 =	vmax.f32 v15, v33;
	v33 =	vld [tilespmem:s26+$0x410]  }
0xe1: {  	v14 =	vmax.f32 v14, v35;
	v35 =	vld [tilespmem:s26+$0x420]  }
0xe2: {  	s3 =	sadd.s32 $0x100, s3;
	v12 =	vmax.f32 v12, v36;
	v36 =	vld [tilespmem:s26+$0x430]  }
.Ltmp10:
0xe3: {  	_ = 	snop;
	(pc) =	sbr.rel .LBB2_9-.Ltmp10, $1  }
0xe4: {  	_ =	sdelay $0x3  }
.LBB2_12:
0xe5: {  	_ =	sfence.sel $0x180000  }
0xe6: {  	[bflag:$0x0] =	sbarrier.arrive $0xFFFF  }
0xe7: {  	_ =	strace $0x90000047  }
0xe8: {  	s0 =	stileid.u32;
	[bflag:$0x2] =	sbarrier.arrive $0xFFFF  }
0xe9: {  	p0 =	sne.s32 s0, $0x0;
	s0 =	rddreg [dreg:$0x3]  }
0xea: {  	s0 =	sadd.s32 @!p0 $0x100000, s0  }
0xeb: {  	[sflag:s0] =	ssyncadd.tile.s32 @!p0 $0x1;
	_ =	shalt  }
.Lfunc_end2:
_tile_overlayer_lowered:
.L_overlay_start_2:
0xec: {  	(tag) =	ssettag $0x2  }
0xed: {  	s0 =	rddreg [dreg:$0x0];
	s2 =	stileid.u32  }
0xee: {  	s1 =	rddreg [dreg:$0x1];
	p0 =	sne.s32 s2, $0x0  }
0xef: {  	s3 =	rddreg [dreg:$0x2];
	[bflag:$0x3] =	sbarrier.arrive $0xFFFF;
	s2 =	simm.s32 @!p0 $0x1C06  }
0xf0: {  	[timem:s3], [sflag:s2] =	dma.local @!p0 [hbm:s0], s1  }
0xf1: {  	s0 =	simm.s32 @!p0 $0x6  }
0xf2: {  	_ =	swait.ge @!p0 [sflag:s0], s1  }
0xf3: {  	s1 =	ssub.s32 @!p0 $0x0, s1;
	[sflag:s0] =	ssyncset.done @!p0 $0x0  }
0xf4: {  	[sflag:s0] =	ssyncadd.s32 @!p0 s1  }
0xf5: {  	[bflag:$0x3] =	sbarrier.arrive $0xFFFF  }
0xf6: {  	_ =	shalt  }

</sc_bundles>
